<compile_context>
chip_gen: v7x
topology: tpu7x:2x2x1
jax: 0.10.2.dev20260603
libtpu: 0.0.44.dev20260713+nightly
codegen_flags: <defaults>
</compile_context>

<pallas_src>
import functools

import jax
import jax.numpy as jnp
import numpy as np
from jax import lax
from jax.experimental import pallas as pl
from jax.experimental.pallas import tpu as pltpu
from jax.experimental.pallas import tpu_sc as plsc

BOX = 1.0
SIGMA = 0.04
PRIOR_N = 12

_HALF = BOX / 2.0

_NW = 32
_SEG = 2000
_D = 4

_TILE = 4096


def _sc_gather_rows(table, idx, T, T_pad):
    chunk = T // _NW
    n_seg = chunk // _SEG
    mesh = plsc.VectorSubcoreMesh(core_axis_name="c", subcore_axis_name="s")

    @functools.partial(
        pl.kernel,
        mesh=mesh,
        out_type=jax.ShapeDtypeStruct((T_pad, _D), jnp.float32),
        scratch_types=[
            pltpu.VMEM((_SEG,), jnp.int32),
            pltpu.VMEM((_SEG, _D), jnp.float32),
            pltpu.SemaphoreType.DMA,
        ],
        compiler_params=pltpu.CompilerParams(use_tc_tiling_on_sc=False),
    )
    def k(tbl_hbm, idx_hbm, out_hbm, idx_v, rows_v, sem):
        wid = lax.axis_index("s") * 2 + lax.axis_index("c")
        base = wid * chunk
        for s in range(n_seg):
            seg = base + s * _SEG
            pltpu.sync_copy(idx_hbm.at[pl.ds(seg, _SEG)], idx_v)
            pltpu.async_copy(tbl_hbm.at[idx_v], rows_v, sem).wait()
            pltpu.sync_copy(rows_v, out_hbm.at[pl.ds(seg, _SEG)])

    return k(table, idx)


def _tc_body(NN, K, rows_ref, pos_ref, w0t, w1t, w1, w0, w2, b0r, b1r,
             out_ref):
    i = pl.program_id(0)
    npb = rows_ref.shape[0]
    tile = npb * K
    qt = jnp.transpose(rows_ref[...])
    nbr_c = []
    for c in range(3):
        nbr_c.append(jnp.concatenate(
            [qt[_D * k + c:_D * k + c + 1, :] for k in range(K)], axis=1))
    nbr = jnp.concatenate(nbr_c, axis=0)
    src = jnp.concatenate([pos_ref[...]] * K, axis=1)
    dr = src - nbr
    dr = jnp.where(dr > _HALF, dr - BOX, dr)
    dr = jnp.where(dr < -_HALF, dr + BOX, dr)
    r2 = jnp.sum(dr * dr, axis=0, keepdims=True)
    invR = lax.rsqrt(r2)
    R = r2 * invR
    X = jnp.concatenate([dr, R, invR], axis=0)
    pre0 = jnp.dot(w0t[...], X, preferred_element_type=jnp.float32) + b0r[...]
    h0 = jnp.maximum(pre0, 0.0)
    pre1 = jnp.dot(w1t[...], h0, preferred_element_type=jnp.float32) + b1r[...]
    gp1 = jnp.where(pre1 > 0.0, w2[...], 0.0)
    gh0 = jnp.dot(w1[...], gp1, preferred_element_type=jnp.float32)
    gp0 = jnp.where(pre0 > 0.0, gh0, 0.0)
    gf = jnp.dot(w0[...], gp0, preferred_element_type=jnp.float32)
    t = SIGMA * invR
    t2 = t * t
    t4 = t2 * t2
    t12 = t4 * t4 * t4
    coef = (gf[3:4, :] * invR - gf[4:5, :] * (invR * invR * invR)
            - PRIOR_N * t12 * (invR * invR))
    force = -(gf[0:3, :] + coef * dr)
    fsum = force.reshape(3, K, npb).sum(axis=1)
    node = lax.broadcasted_iota(jnp.int32, (1, npb), 1) + i * npb
    out_ref[...] = jnp.where(node < NN, fsum, 0.0)


def kernel(positions, neighbor_list, W0, b0, W1, b1, W2, b2):
    B, N, _ = positions.shape
    K = neighbor_list.shape[2]
    T = B * N * K
    grid = pl.cdiv(T, _TILE)
    T_pad = grid * _TILE
    nodes_pad = T_pad // K
    npb = _TILE // K

    table = jnp.concatenate(
        [positions.reshape(B * N, 3),
         jnp.zeros((B * N, 1), jnp.float32)], axis=1)
    boff = (jnp.arange(B, dtype=jnp.int32) * N)[:, None, None]
    idx = (neighbor_list[..., 1] + boff).reshape(-1)

    rows = _sc_gather_rows(table, idx, T, T_pad)
    rows128 = rows.reshape(T_pad * _D // 128, 128)

    pos_pl = jnp.zeros((3, nodes_pad), jnp.float32)
    pos_pl = pos_pl.at[:, :B * N].set(positions.reshape(B * N, 3).T)

    hid = W0.shape[1]
    rpb = npb * _D * K // 128
    out = pl.pallas_call(
        functools.partial(_tc_body, B * N, K),
        grid=(grid,),
        in_specs=[
            pl.BlockSpec((rpb, 128), lambda i: (i, 0)),
            pl.BlockSpec((3, npb), lambda i: (0, i)),
            pl.BlockSpec((hid, W0.shape[0]), lambda i: (0, 0)),
            pl.BlockSpec((hid, hid), lambda i: (0, 0)),
            pl.BlockSpec((hid, hid), lambda i: (0, 0)),
            pl.BlockSpec((W0.shape[0], hid), lambda i: (0, 0)),
            pl.BlockSpec((hid, 1), lambda i: (0, 0)),
            pl.BlockSpec((hid, 1), lambda i: (0, 0)),
            pl.BlockSpec((hid, 1), lambda i: (0, 0)),
        ],
        out_specs=pl.BlockSpec((3, npb), lambda i: (0, i)),
        out_shape=jax.ShapeDtypeStruct((3, nodes_pad), jnp.float32),
    )(rows128, pos_pl, W0.T, W1.T, W1, W0, W2, b0.reshape(hid, 1),
      b1.reshape(hid, 1))

    return out[:, :B * N].reshape(3, B, N).transpose(1, 2, 0)

# --- scband reference (transcript-rebuilt; emitter-appended) ---
"""Pipeline reference for scband-iso-neighbor-nn-57939108823864 (READ-ONLY COPY).

The authoritative reference and input builder live on the scoring server;
editing this copy changes nothing except your own understanding.
"""

import jax, jax.numpy as jnp
import numpy as np

B, N, K = 2, 10000, 32
IN_DIM, HID = 5, 64
BOX = 1.0
SIGMA = 0.04
PRIOR_N = 12


def _xavier(key, shape):
    fan_in, fan_out = shape[0], shape[1]
    limit = float(np.sqrt(6.0 / (fan_in + fan_out)))
    return jax.random.uniform(key, shape, dtype=jnp.float32, minval=-limit, maxval=limit)


def setup_inputs(seed: int = 0):
    key = jax.random.key(seed)
    ks = jax.random.split(key, 6)
    positions = jax.random.uniform(ks[0], (B, N, 3), dtype=jnp.float32)
    # neighbor_list layout matches the torch module: last dim holds (src, nbr) pairs;
    # forward keeps [..., 1]. Offset trick guarantees nbr != self so R > 0.
    raw = jax.random.randint(ks[1], (B, N, K, 2), 0, N - 1, dtype=jnp.int32)
    base = jnp.arange(N, dtype=jnp.int32)[None, :, None, None]
    neighbor_list = (base + 1 + raw) % N
    W0 = _xavier(ks[2], (IN_DIM, HID)); b0 = jnp.full((HID,), 0.01, jnp.float32)
    W1 = _xavier(ks[3], (HID, HID)); b1 = jnp.full((HID,), 0.01, jnp.float32)
    W2 = _xavier(ks[4], (HID, 1)); b2 = jnp.full((1,), 0.01, jnp.float32)
    return {"positions": positions, "neighbor_list": neighbor_list,
            "W0": W0, "b0": b0, "W1": W1, "b1": b1, "W2": W2, "b2": b2}


def _pbc(d):
    half = BOX / 2.0
    d = jnp.where(d > half, d - BOX, d)
    d = jnp.where(d < -half, d + BOX, d)
    return d


def reference(positions, neighbor_list, W0, b0, W1, b1, W2, b2):
    # neighbor_list.reshape(B, N, -1, last)[..., 1]
    nl = neighbor_list.reshape(B, N, -1, neighbor_list.shape[-1])[:, :, :, 1]
    Kn = nl.shape[-1]
    pos_rep = jnp.broadcast_to(positions[:, :, None, :], (B, N, Kn, 3))
    idx = jnp.broadcast_to(nl[..., None], (B, N, Kn, 3))
    nbr = jnp.take_along_axis(pos_rep, idx, axis=1)  # gather along node dim
    dr = _pbc(pos_rep - nbr)  # grad is taken w.r.t. post-PBC dr, as in torch

    def energy_sum(dr_):
        R = jnp.linalg.norm(dr_, axis=-1, keepdims=True)
        inv_R = 1.0 / R
        feats = jnp.concatenate([dr_, R, inv_R], axis=-1)
        h = jnp.maximum(feats @ W0 + b0, 0.0)
        h = jnp.maximum(h @ W1 + b1, 0.0)  # batch_norm=False, dropout in eval = identity
        pe = h @ W2 + b2
        pe = pe + (SIGMA / R) ** PRIOR_N
        return pe.sum()

    pair_forces = -jax.grad(energy_sum)(dr)
    return pair_forces.sum(axis=2)

if __name__ == "__main__":
    import jax
    _d = setup_inputs()
    print(jax.jit(kernel)(*tuple(_d.values())))

</pallas_src>

<mosaic_0001>
#map = affine_map<(d0, d1) -> (0, 0)>
#map1 = affine_map<(d0, d1) -> (0)>
module attributes {stable_mosaic.version = 14 : i64} {
  func.func @k(%arg0: i32, %arg1: i32, %arg2: memref<20000x4xf32, #tpu.memory_space<hbm>>, %arg3: memref<640000xi32, #tpu.memory_space<hbm>>, %arg4: memref<643072x4xf32, #tpu.memory_space<hbm>>, %arg5: memref<2000xi32, #tpu.memory_space<vmem>>, %arg6: memref<2000x4xf32, #tpu.memory_space<vmem>>, %arg7: memref<!tpu.dma_semaphore, #tpu.memory_space<semaphore_mem>>) attributes {dimension_semantics = [#tpu.dimension_semantics<core_parallel>, #tpu.dimension_semantics<subcore_parallel>], iteration_bounds = array<i64: 2, 16>, scalar_prefetch = 0 : i64, scratch_operands = 3 : i64, tpu.core_type = #tpu.core_type<sc_vector_subcore>, window_params = [{transform_indices = #map}, {transform_indices = #map1}, {transform_indices = #map}]} {
    %mul3A = arith.constant 2 : i32
    %mul3A_0 = arith.muli %arg1, %mul3A : i32
    %add3A = arith.addi %mul3A_0, %arg0 : i32
    %mul3A_1 = arith.constant 20000 : i32
    %mul3A_2 = arith.muli %add3A, %mul3A_1 : i32
    %add3A_3 = arith.constant 0 : i32
    %add3A_4 = arith.addi %mul3A_2, %add3A_3 : i32
    "tpu.region"() ({
      %run_scoped3A = tpu.sem_alloc : memref<!tpu.dma_semaphore, #tpu.memory_space<semaphore_mem>>
      %dma_start3A_81 = tpu.memref_slice %arg3[%add3A_4] : memref<640000xi32, #tpu.memory_space<hbm>> -> memref<2000xi32, #tpu.memory_space<hbm>>
      %dma_start3A_82 = tpu.memref_slice %arg3[%add3A_4] : memref<640000xi32, #tpu.memory_space<hbm>> -> memref<2000xi32, #tpu.memory_space<hbm>>
      tpu.enqueue_dma source(%dma_start3A_82 : memref<2000xi32, #tpu.memory_space<hbm>>) target(%arg5 : memref<2000xi32, #tpu.memory_space<vmem>>) target_semaphore(%run_scoped3A : memref<!tpu.dma_semaphore, #tpu.memory_space<semaphore_mem>>)
      %dma_wait3A_83 = tpu.memref_slice %arg3[%add3A_4] : memref<640000xi32, #tpu.memory_space<hbm>> -> memref<2000xi32, #tpu.memory_space<hbm>>
      %dma_wait3A_84 = tpu.memref_slice %arg3[%add3A_4] : memref<640000xi32, #tpu.memory_space<hbm>> -> memref<2000xi32, #tpu.memory_space<hbm>>
      tpu.wait_dma2 semaphore(%run_scoped3A : memref<!tpu.dma_semaphore, #tpu.memory_space<semaphore_mem>>) src(%dma_wait3A_84 : memref<2000xi32, #tpu.memory_space<hbm>>) dst(%arg5 : memref<2000xi32, #tpu.memory_space<vmem>>)
      tpu.yield
    }) : () -> ()
    %dma_start3A = arith.constant 0 : i32
    %dma_start3A_5 = arith.constant 0 : i32
    %dma_start3A_6 = tpu.memref_slice %arg2[%dma_start3A, %dma_start3A_5] : memref<20000x4xf32, #tpu.memory_space<hbm>> -> memref<20000x4xf32, #tpu.memory_space<hbm>>
    tpu.enqueue_indirect_dma source(%dma_start3A_6 : memref<20000x4xf32, #tpu.memory_space<hbm>>) target(%arg6 : memref<2000x4xf32, #tpu.memory_space<vmem>>) offsets(%arg5 : memref<2000xi32, #tpu.memory_space<vmem>>) semaphore(%arg7 : memref<!tpu.dma_semaphore, #tpu.memory_space<semaphore_mem>>)
    %dma_wait3A = arith.constant 0 : i32
    %dma_wait3A_7 = arith.constant 0 : i32
    %dma_wait3A_8 = tpu.memref_slice %arg2[%dma_wait3A, %dma_wait3A_7] : memref<20000x4xf32, #tpu.memory_space<hbm>> -> memref<20000x4xf32, #tpu.memory_space<hbm>>
    tpu.wait_indirect_dma semaphore(%arg7 : memref<!tpu.dma_semaphore, #tpu.memory_space<semaphore_mem>>) src(%dma_wait3A_8 : memref<20000x4xf32, #tpu.memory_space<hbm>>) dst(%arg6 : memref<2000x4xf32, #tpu.memory_space<vmem>>)
    "tpu.region"() ({
      %run_scoped3A = tpu.sem_alloc : memref<!tpu.dma_semaphore, #tpu.memory_space<semaphore_mem>>
      %dma_start3A_81 = arith.constant 0 : i32
      %dma_start3A_82 = tpu.memref_slice %arg4[%add3A_4, %dma_start3A_81] : memref<643072x4xf32, #tpu.memory_space<hbm>> -> memref<2000x4xf32, #tpu.memory_space<hbm>>
      %dma_start3A_83 = arith.constant 0 : i32
      %dma_start3A_84 = tpu.memref_slice %arg4[%add3A_4, %dma_start3A_83] : memref<643072x4xf32, #tpu.memory_space<hbm>> -> memref<2000x4xf32, #tpu.memory_space<hbm>>
      tpu.enqueue_dma source(%arg6 : memref<2000x4xf32, #tpu.memory_space<vmem>>) target(%dma_start3A_84 : memref<2000x4xf32, #tpu.memory_space<hbm>>) target_semaphore(%run_scoped3A : memref<!tpu.dma_semaphore, #tpu.memory_space<semaphore_mem>>)
      %dma_wait3A_85 = arith.constant 0 : i32
      %dma_wait3A_86 = tpu.memref_slice %arg4[%add3A_4, %dma_wait3A_85] : memref<643072x4xf32, #tpu.memory_space<hbm>> -> memref<2000x4xf32, #tpu.memory_space<hbm>>
      %dma_wait3A_87 = arith.constant 0 : i32
      %dma_wait3A_88 = tpu.memref_slice %arg4[%add3A_4, %dma_wait3A_87] : memref<643072x4xf32, #tpu.memory_space<hbm>> -> memref<2000x4xf32, #tpu.memory_space<hbm>>
      tpu.wait_dma2 semaphore(%run_scoped3A : memref<!tpu.dma_semaphore, #tpu.memory_space<semaphore_mem>>) src(%arg6 : memref<2000x4xf32, #tpu.memory_space<vmem>>) dst(%dma_wait3A_88 : memref<2000x4xf32, #tpu.memory_space<hbm>>)
      tpu.yield
    }) : () -> ()
    %add3A_9 = arith.constant 2000 : i32
    %add3A_10 = arith.addi %mul3A_2, %add3A_9 : i32
    "tpu.region"() ({
      %run_scoped3A = tpu.sem_alloc : memref<!tpu.dma_semaphore, #tpu.memory_space<semaphore_mem>>
      %dma_start3A_81 = tpu.memref_slice %arg3[%add3A_10] : memref<640000xi32, #tpu.memory_space<hbm>> -> memref<2000xi32, #tpu.memory_space<hbm>>
      %dma_start3A_82 = tpu.memref_slice %arg3[%add3A_10] : memref<640000xi32, #tpu.memory_space<hbm>> -> memref<2000xi32, #tpu.memory_space<hbm>>
      tpu.enqueue_dma source(%dma_start3A_82 : memref<2000xi32, #tpu.memory_space<hbm>>) target(%arg5 : memref<2000xi32, #tpu.memory_space<vmem>>) target_semaphore(%run_scoped3A : memref<!tpu.dma_semaphore, #tpu.memory_space<semaphore_mem>>)
      %dma_wait3A_83 = tpu.memref_slice %arg3[%add3A_10] : memref<640000xi32, #tpu.memory_space<hbm>> -> memref<2000xi32, #tpu.memory_space<hbm>>
      %dma_wait3A_84 = tpu.memref_slice %arg3[%add3A_10] : memref<640000xi32, #tpu.memory_space<hbm>> -> memref<2000xi32, #tpu.memory_space<hbm>>
      tpu.wait_dma2 semaphore(%run_scoped3A : memref<!tpu.dma_semaphore, #tpu.memory_space<semaphore_mem>>) src(%dma_wait3A_84 : memref<2000xi32, #tpu.memory_space<hbm>>) dst(%arg5 : memref<2000xi32, #tpu.memory_space<vmem>>)
      tpu.yield
    }) : () -> ()
    %dma_start3A_11 = arith.constant 0 : i32
    %dma_start3A_12 = arith.constant 0 : i32
    %dma_start3A_13 = tpu.memref_slice %arg2[%dma_start3A_11, %dma_start3A_12] : memref<20000x4xf32, #tpu.memory_space<hbm>> -> memref<20000x4xf32, #tpu.memory_space<hbm>>
    tpu.enqueue_indirect_dma source(%dma_start3A_13 : memref<20000x4xf32, #tpu.memory_space<hbm>>) target(%arg6 : memref<2000x4xf32, #tpu.memory_space<vmem>>) offsets(%arg5 : memref<2000xi32, #tpu.memory_space<vmem>>) semaphore(%arg7 : memref<!tpu.dma_semaphore, #tpu.memory_space<semaphore_mem>>)
    %dma_wait3A_14 = arith.constant 0 : i32
    %dma_wait3A_15 = arith.constant 0 : i32
    %dma_wait3A_16 = tpu.memref_slice %arg2[%dma_wait3A_14, %dma_wait3A_15] : memref<20000x4xf32, #tpu.memory_space<hbm>> -> memref<20000x4xf32, #tpu.memory_space<hbm>>
    tpu.wait_indirect_dma semaphore(%arg7 : memref<!tpu.dma_semaphore, #tpu.memory_space<semaphore_mem>>) src(%dma_wait3A_16 : memref<20000x4xf32, #tpu.memory_space<hbm>>) dst(%arg6 : memref<2000x4xf32, #tpu.memory_space<vmem>>)
    "tpu.region"() ({
      %run_scoped3A = tpu.sem_alloc : memref<!tpu.dma_semaphore, #tpu.memory_space<semaphore_mem>>
      %dma_start3A_81 = arith.constant 0 : i32
      %dma_start3A_82 = tpu.memref_slice %arg4[%add3A_10, %dma_start3A_81] : memref<643072x4xf32, #tpu.memory_space<hbm>> -> memref<2000x4xf32, #tpu.memory_space<hbm>>
      %dma_start3A_83 = arith.constant 0 : i32
      %dma_start3A_84 = tpu.memref_slice %arg4[%add3A_10, %dma_start3A_83] : memref<643072x4xf32, #tpu.memory_space<hbm>> -> memref<2000x4xf32, #tpu.memory_space<hbm>>
      tpu.enqueue_dma source(%arg6 : memref<2000x4xf32, #tpu.memory_space<vmem>>) target(%dma_start3A_84 : memref<2000x4xf32, #tpu.memory_space<hbm>>) target_semaphore(%run_scoped3A : memref<!tpu.dma_semaphore, #tpu.memory_space<semaphore_mem>>)
      %dma_wait3A_85 = arith.constant 0 : i32
      %dma_wait3A_86 = tpu.memref_slice %arg4[%add3A_10, %dma_wait3A_85] : memref<643072x4xf32, #tpu.memory_space<hbm>> -> memref<2000x4xf32, #tpu.memory_space<hbm>>
      %dma_wait3A_87 = arith.constant 0 : i32
      %dma_wait3A_88 = tpu.memref_slice %arg4[%add3A_10, %dma_wait3A_87] : memref<643072x4xf32, #tpu.memory_space<hbm>> -> memref<2000x4xf32, #tpu.memory_space<hbm>>
      tpu.wait_dma2 semaphore(%run_scoped3A : memref<!tpu.dma_semaphore, #tpu.memory_space<semaphore_mem>>) src(%arg6 : memref<2000x4xf32, #tpu.memory_space<vmem>>) dst(%dma_wait3A_88 : memref<2000x4xf32, #tpu.memory_space<hbm>>)
      tpu.yield
    }) : () -> ()
    %add3A_17 = arith.constant 4000 : i32
    %add3A_18 = arith.addi %mul3A_2, %add3A_17 : i32
    "tpu.region"() ({
      %run_scoped3A = tpu.sem_alloc : memref<!tpu.dma_semaphore, #tpu.memory_space<semaphore_mem>>
      %dma_start3A_81 = tpu.memref_slice %arg3[%add3A_18] : memref<640000xi32, #tpu.memory_space<hbm>> -> memref<2000xi32, #tpu.memory_space<hbm>>
      %dma_start3A_82 = tpu.memref_slice %arg3[%add3A_18] : memref<640000xi32, #tpu.memory_space<hbm>> -> memref<2000xi32, #tpu.memory_space<hbm>>
      tpu.enqueue_dma source(%dma_start3A_82 : memref<2000xi32, #tpu.memory_space<hbm>>) target(%arg5 : memref<2000xi32, #tpu.memory_space<vmem>>) target_semaphore(%run_scoped3A : memref<!tpu.dma_semaphore, #tpu.memory_space<semaphore_mem>>)
      %dma_wait3A_83 = tpu.memref_slice %arg3[%add3A_18] : memref<640000xi32, #tpu.memory_space<hbm>> -> memref<2000xi32, #tpu.memory_space<hbm>>
      %dma_wait3A_84 = tpu.memref_slice %arg3[%add3A_18] : memref<640000xi32, #tpu.memory_space<hbm>> -> memref<2000xi32, #tpu.memory_space<hbm>>
      tpu.wait_dma2 semaphore(%run_scoped3A : memref<!tpu.dma_semaphore, #tpu.memory_space<semaphore_mem>>) src(%dma_wait3A_84 : memref<2000xi32, #tpu.memory_space<hbm>>) dst(%arg5 : memref<2000xi32, #tpu.memory_space<vmem>>)
      tpu.yield
    }) : () -> ()
    %dma_start3A_19 = arith.constant 0 : i32
    %dma_start3A_20 = arith.constant 0 : i32
    %dma_start3A_21 = tpu.memref_slice %arg2[%dma_start3A_19, %dma_start3A_20] : memref<20000x4xf32, #tpu.memory_space<hbm>> -> memref<20000x4xf32, #tpu.memory_space<hbm>>
    tpu.enqueue_indirect_dma source(%dma_start3A_21 : memref<20000x4xf32, #tpu.memory_space<hbm>>) target(%arg6 : memref<2000x4xf32, #tpu.memory_space<vmem>>) offsets(%arg5 : memref<2000xi32, #tpu.memory_space<vmem>>) semaphore(%arg7 : memref<!tpu.dma_semaphore, #tpu.memory_space<semaphore_mem>>)
    %dma_wait3A_22 = arith.constant 0 : i32
    %dma_wait3A_23 = arith.constant 0 : i32
    %dma_wait3A_24 = tpu.memref_slice %arg2[%dma_wait3A_22, %dma_wait3A_23] : memref<20000x4xf32, #tpu.memory_space<hbm>> -> memref<20000x4xf32, #tpu.memory_space<hbm>>
    tpu.wait_indirect_dma semaphore(%arg7 : memref<!tpu.dma_semaphore, #tpu.memory_space<semaphore_mem>>) src(%dma_wait3A_24 : memref<20000x4xf32, #tpu.memory_space<hbm>>) dst(%arg6 : memref<2000x4xf32, #tpu.memory_space<vmem>>)
    "tpu.region"() ({
      %run_scoped3A = tpu.sem_alloc : memref<!tpu.dma_semaphore, #tpu.memory_space<semaphore_mem>>
      %dma_start3A_81 = arith.constant 0 : i32
      %dma_start3A_82 = tpu.memref_slice %arg4[%add3A_18, %dma_start3A_81] : memref<643072x4xf32, #tpu.memory_space<hbm>> -> memref<2000x4xf32, #tpu.memory_space<hbm>>
      %dma_start3A_83 = arith.constant 0 : i32
      %dma_start3A_84 = tpu.memref_slice %arg4[%add3A_18, %dma_start3A_83] : memref<643072x4xf32, #tpu.memory_space<hbm>> -> memref<2000x4xf32, #tpu.memory_space<hbm>>
      tpu.enqueue_dma source(%arg6 : memref<2000x4xf32, #tpu.memory_space<vmem>>) target(%dma_start3A_84 : memref<2000x4xf32, #tpu.memory_space<hbm>>) target_semaphore(%run_scoped3A : memref<!tpu.dma_semaphore, #tpu.memory_space<semaphore_mem>>)
      %dma_wait3A_85 = arith.constant 0 : i32
      %dma_wait3A_86 = tpu.memref_slice %arg4[%add3A_18, %dma_wait3A_85] : memref<643072x4xf32, #tpu.memory_space<hbm>> -> memref<2000x4xf32, #tpu.memory_space<hbm>>
      %dma_wait3A_87 = arith.constant 0 : i32
      %dma_wait3A_88 = tpu.memref_slice %arg4[%add3A_18, %dma_wait3A_87] : memref<643072x4xf32, #tpu.memory_space<hbm>> -> memref<2000x4xf32, #tpu.memory_space<hbm>>
      tpu.wait_dma2 semaphore(%run_scoped3A : memref<!tpu.dma_semaphore, #tpu.memory_space<semaphore_mem>>) src(%arg6 : memref<2000x4xf32, #tpu.memory_space<vmem>>) dst(%dma_wait3A_88 : memref<2000x4xf32, #tpu.memory_space<hbm>>)
      tpu.yield
    }) : () -> ()
    %add3A_25 = arith.constant 6000 : i32
    %add3A_26 = arith.addi %mul3A_2, %add3A_25 : i32
    "tpu.region"() ({
      %run_scoped3A = tpu.sem_alloc : memref<!tpu.dma_semaphore, #tpu.memory_space<semaphore_mem>>
      %dma_start3A_81 = tpu.memref_slice %arg3[%add3A_26] : memref<640000xi32, #tpu.memory_space<hbm>> -> memref<2000xi32, #tpu.memory_space<hbm>>
      %dma_start3A_82 = tpu.memref_slice %arg3[%add3A_26] : memref<640000xi32, #tpu.memory_space<hbm>> -> memref<2000xi32, #tpu.memory_space<hbm>>
      tpu.enqueue_dma source(%dma_start3A_82 : memref<2000xi32, #tpu.memory_space<hbm>>) target(%arg5 : memref<2000xi32, #tpu.memory_space<vmem>>) target_semaphore(%run_scoped3A : memref<!tpu.dma_semaphore, #tpu.memory_space<semaphore_mem>>)
      %dma_wait3A_83 = tpu.memref_slice %arg3[%add3A_26] : memref<640000xi32, #tpu.memory_space<hbm>> -> memref<2000xi32, #tpu.memory_space<hbm>>
      %dma_wait3A_84 = tpu.memref_slice %arg3[%add3A_26] : memref<640000xi32, #tpu.memory_space<hbm>> -> memref<2000xi32, #tpu.memory_space<hbm>>
      tpu.wait_dma2 semaphore(%run_scoped3A : memref<!tpu.dma_semaphore, #tpu.memory_space<semaphore_mem>>) src(%dma_wait3A_84 : memref<2000xi32, #tpu.memory_space<hbm>>) dst(%arg5 : memref<2000xi32, #tpu.memory_space<vmem>>)
      tpu.yield
    }) : () -> ()
    %dma_start3A_27 = arith.constant 0 : i32
    %dma_start3A_28 = arith.constant 0 : i32
    %dma_start3A_29 = tpu.memref_slice %arg2[%dma_start3A_27, %dma_start3A_28] : memref<20000x4xf32, #tpu.memory_space<hbm>> -> memref<20000x4xf32, #tpu.memory_space<hbm>>
    tpu.enqueue_indirect_dma source(%dma_start3A_29 : memref<20000x4xf32, #tpu.memory_space<hbm>>) target(%arg6 : memref<2000x4xf32, #tpu.memory_space<vmem>>) offsets(%arg5 : memref<2000xi32, #tpu.memory_space<vmem>>) semaphore(%arg7 : memref<!tpu.dma_semaphore, #tpu.memory_space<semaphore_mem>>)
    %dma_wait3A_30 = arith.constant 0 : i32
    %dma_wait3A_31 = arith.constant 0 : i32
    %dma_wait3A_32 = tpu.memref_slice %arg2[%dma_wait3A_30, %dma_wait3A_31] : memref<20000x4xf32, #tpu.memory_space<hbm>> -> memref<20000x4xf32, #tpu.memory_space<hbm>>
    tpu.wait_indirect_dma semaphore(%arg7 : memref<!tpu.dma_semaphore, #tpu.memory_space<semaphore_mem>>) src(%dma_wait3A_32 : memref<20000x4xf32, #tpu.memory_space<hbm>>) dst(%arg6 : memref<2000x4xf32, #tpu.memory_space<vmem>>)
    "tpu.region"() ({
      %run_scoped3A = tpu.sem_alloc : memref<!tpu.dma_semaphore, #tpu.memory_space<semaphore_mem>>
      %dma_start3A_81 = arith.constant 0 : i32
      %dma_start3A_82 = tpu.memref_slice %arg4[%add3A_26, %dma_start3A_81] : memref<643072x4xf32, #tpu.memory_space<hbm>> -> memref<2000x4xf32, #tpu.memory_space<hbm>>
      %dma_start3A_83 = arith.constant 0 : i32
      %dma_start3A_84 = tpu.memref_slice %arg4[%add3A_26, %dma_start3A_83] : memref<643072x4xf32, #tpu.memory_space<hbm>> -> memref<2000x4xf32, #tpu.memory_space<hbm>>
      tpu.enqueue_dma source(%arg6 : memref<2000x4xf32, #tpu.memory_space<vmem>>) target(%dma_start3A_84 : memref<2000x4xf32, #tpu.memory_space<hbm>>) target_semaphore(%run_scoped3A : memref<!tpu.dma_semaphore, #tpu.memory_space<semaphore_mem>>)
      %dma_wait3A_85 = arith.constant 0 : i32
      %dma_wait3A_86 = tpu.memref_slice %arg4[%add3A_26, %dma_wait3A_85] : memref<643072x4xf32, #tpu.memory_space<hbm>> -> memref<2000x4xf32, #tpu.memory_space<hbm>>
      %dma_wait3A_87 = arith.constant 0 : i32
      %dma_wait3A_88 = tpu.memref_slice %arg4[%add3A_26, %dma_wait3A_87] : memref<643072x4xf32, #tpu.memory_space<hbm>> -> memref<2000x4xf32, #tpu.memory_space<hbm>>
      tpu.wait_dma2 semaphore(%run_scoped3A : memref<!tpu.dma_semaphore, #tpu.memory_space<semaphore_mem>>) src(%arg6 : memref<2000x4xf32, #tpu.memory_space<vmem>>) dst(%dma_wait3A_88 : memref<2000x4xf32, #tpu.memory_space<hbm>>)
      tpu.yield
    }) : () -> ()
    %add3A_33 = arith.constant 8000 : i32
    %add3A_34 = arith.addi %mul3A_2, %add3A_33 : i32
    "tpu.region"() ({
      %run_scoped3A = tpu.sem_alloc : memref<!tpu.dma_semaphore, #tpu.memory_space<semaphore_mem>>
      %dma_start3A_81 = tpu.memref_slice %arg3[%add3A_34] : memref<640000xi32, #tpu.memory_space<hbm>> -> memref<2000xi32, #tpu.memory_space<hbm>>
      %dma_start3A_82 = tpu.memref_slice %arg3[%add3A_34] : memref<640000xi32, #tpu.memory_space<hbm>> -> memref<2000xi32, #tpu.memory_space<hbm>>
      tpu.enqueue_dma source(%dma_start3A_82 : memref<2000xi32, #tpu.memory_space<hbm>>) target(%arg5 : memref<2000xi32, #tpu.memory_space<vmem>>) target_semaphore(%run_scoped3A : memref<!tpu.dma_semaphore, #tpu.memory_space<semaphore_mem>>)
      %dma_wait3A_83 = tpu.memref_slice %arg3[%add3A_34] : memref<640000xi32, #tpu.memory_space<hbm>> -> memref<2000xi32, #tpu.memory_space<hbm>>
      %dma_wait3A_84 = tpu.memref_slice %arg3[%add3A_34] : memref<640000xi32, #tpu.memory_space<hbm>> -> memref<2000xi32, #tpu.memory_space<hbm>>
      tpu.wait_dma2 semaphore(%run_scoped3A : memref<!tpu.dma_semaphore, #tpu.memory_space<semaphore_mem>>) src(%dma_wait3A_84 : memref<2000xi32, #tpu.memory_space<hbm>>) dst(%arg5 : memref<2000xi32, #tpu.memory_space<vmem>>)
      tpu.yield
    }) : () -> ()
    %dma_start3A_35 = arith.constant 0 : i32
    %dma_start3A_36 = arith.constant 0 : i32
    %dma_start3A_37 = tpu.memref_slice %arg2[%dma_start3A_35, %dma_start3A_36] : memref<20000x4xf32, #tpu.memory_space<hbm>> -> memref<20000x4xf32, #tpu.memory_space<hbm>>
    tpu.enqueue_indirect_dma source(%dma_start3A_37 : memref<20000x4xf32, #tpu.memory_space<hbm>>) target(%arg6 : memref<2000x4xf32, #tpu.memory_space<vmem>>) offsets(%arg5 : memref<2000xi32, #tpu.memory_space<vmem>>) semaphore(%arg7 : memref<!tpu.dma_semaphore, #tpu.memory_space<semaphore_mem>>)
    %dma_wait3A_38 = arith.constant 0 : i32
    %dma_wait3A_39 = arith.constant 0 : i32
    %dma_wait3A_40 = tpu.memref_slice %arg2[%dma_wait3A_38, %dma_wait3A_39] : memref<20000x4xf32, #tpu.memory_space<hbm>> -> memref<20000x4xf32, #tpu.memory_space<hbm>>
    tpu.wait_indirect_dma semaphore(%arg7 : memref<!tpu.dma_semaphore, #tpu.memory_space<semaphore_mem>>) src(%dma_wait3A_40 : memref<20000x4xf32, #tpu.memory_space<hbm>>) dst(%arg6 : memref<2000x4xf32, #tpu.memory_space<vmem>>)
    "tpu.region"() ({
      %run_scoped3A = tpu.sem_alloc : memref<!tpu.dma_semaphore, #tpu.memory_space<semaphore_mem>>
      %dma_start3A_81 = arith.constant 0 : i32
      %dma_start3A_82 = tpu.memref_slice %arg4[%add3A_34, %dma_start3A_81] : memref<643072x4xf32, #tpu.memory_space<hbm>> -> memref<2000x4xf32, #tpu.memory_space<hbm>>
      %dma_start3A_83 = arith.constant 0 : i32
      %dma_start3A_84 = tpu.memref_slice %arg4[%add3A_34, %dma_start3A_83] : memref<643072x4xf32, #tpu.memory_space<hbm>> -> memref<2000x4xf32, #tpu.memory_space<hbm>>
      tpu.enqueue_dma source(%arg6 : memref<2000x4xf32, #tpu.memory_space<vmem>>) target(%dma_start3A_84 : memref<2000x4xf32, #tpu.memory_space<hbm>>) target_semaphore(%run_scoped3A : memref<!tpu.dma_semaphore, #tpu.memory_space<semaphore_mem>>)
      %dma_wait3A_85 = arith.constant 0 : i32
      %dma_wait3A_86 = tpu.memref_slice %arg4[%add3A_34, %dma_wait3A_85] : memref<643072x4xf32, #tpu.memory_space<hbm>> -> memref<2000x4xf32, #tpu.memory_space<hbm>>
      %dma_wait3A_87 = arith.constant 0 : i32
      %dma_wait3A_88 = tpu.memref_slice %arg4[%add3A_34, %dma_wait3A_87] : memref<643072x4xf32, #tpu.memory_space<hbm>> -> memref<2000x4xf32, #tpu.memory_space<hbm>>
      tpu.wait_dma2 semaphore(%run_scoped3A : memref<!tpu.dma_semaphore, #tpu.memory_space<semaphore_mem>>) src(%arg6 : memref<2000x4xf32, #tpu.memory_space<vmem>>) dst(%dma_wait3A_88 : memref<2000x4xf32, #tpu.memory_space<hbm>>)
      tpu.yield
    }) : () -> ()
    %add3A_41 = arith.constant 10000 : i32
    %add3A_42 = arith.addi %mul3A_2, %add3A_41 : i32
    "tpu.region"() ({
      %run_scoped3A = tpu.sem_alloc : memref<!tpu.dma_semaphore, #tpu.memory_space<semaphore_mem>>
      %dma_start3A_81 = tpu.memref_slice %arg3[%add3A_42] : memref<640000xi32, #tpu.memory_space<hbm>> -> memref<2000xi32, #tpu.memory_space<hbm>>
      %dma_start3A_82 = tpu.memref_slice %arg3[%add3A_42] : memref<640000xi32, #tpu.memory_space<hbm>> -> memref<2000xi32, #tpu.memory_space<hbm>>
      tpu.enqueue_dma source(%dma_start3A_82 : memref<2000xi32, #tpu.memory_space<hbm>>) target(%arg5 : memref<2000xi32, #tpu.memory_space<vmem>>) target_semaphore(%run_scoped3A : memref<!tpu.dma_semaphore, #tpu.memory_space<semaphore_mem>>)
      %dma_wait3A_83 = tpu.memref_slice %arg3[%add3A_42] : memref<640000xi32, #tpu.memory_space<hbm>> -> memref<2000xi32, #tpu.memory_space<hbm>>
      %dma_wait3A_84 = tpu.memref_slice %arg3[%add3A_42] : memref<640000xi32, #tpu.memory_space<hbm>> -> memref<2000xi32, #tpu.memory_space<hbm>>
      tpu.wait_dma2 semaphore(%run_scoped3A : memref<!tpu.dma_semaphore, #tpu.memory_space<semaphore_mem>>) src(%dma_wait3A_84 : memref<2000xi32, #tpu.memory_space<hbm>>) dst(%arg5 : memref<2000xi32, #tpu.memory_space<vmem>>)
      tpu.yield
    }) : () -> ()
    %dma_start3A_43 = arith.constant 0 : i32
    %dma_start3A_44 = arith.constant 0 : i32
    %dma_start3A_45 = tpu.memref_slice %arg2[%dma_start3A_43, %dma_start3A_44] : memref<20000x4xf32, #tpu.memory_space<hbm>> -> memref<20000x4xf32, #tpu.memory_space<hbm>>
    tpu.enqueue_indirect_dma source(%dma_start3A_45 : memref<20000x4xf32, #tpu.memory_space<hbm>>) target(%arg6 : memref<2000x4xf32, #tpu.memory_space<vmem>>) offsets(%arg5 : memref<2000xi32, #tpu.memory_space<vmem>>) semaphore(%arg7 : memref<!tpu.dma_semaphore, #tpu.memory_space<semaphore_mem>>)
    %dma_wait3A_46 = arith.constant 0 : i32
    %dma_wait3A_47 = arith.constant 0 : i32
    %dma_wait3A_48 = tpu.memref_slice %arg2[%dma_wait3A_46, %dma_wait3A_47] : memref<20000x4xf32, #tpu.memory_space<hbm>> -> memref<20000x4xf32, #tpu.memory_space<hbm>>
    tpu.wait_indirect_dma semaphore(%arg7 : memref<!tpu.dma_semaphore, #tpu.memory_space<semaphore_mem>>) src(%dma_wait3A_48 : memref<20000x4xf32, #tpu.memory_space<hbm>>) dst(%arg6 : memref<2000x4xf32, #tpu.memory_space<vmem>>)
    "tpu.region"() ({
      %run_scoped3A = tpu.sem_alloc : memref<!tpu.dma_semaphore, #tpu.memory_space<semaphore_mem>>
      %dma_start3A_81 = arith.constant 0 : i32
      %dma_start3A_82 = tpu.memref_slice %arg4[%add3A_42, %dma_start3A_81] : memref<643072x4xf32, #tpu.memory_space<hbm>> -> memref<2000x4xf32, #tpu.memory_space<hbm>>
      %dma_start3A_83 = arith.constant 0 : i32
      %dma_start3A_84 = tpu.memref_slice %arg4[%add3A_42, %dma_start3A_83] : memref<643072x4xf32, #tpu.memory_space<hbm>> -> memref<2000x4xf32, #tpu.memory_space<hbm>>
      tpu.enqueue_dma source(%arg6 : memref<2000x4xf32, #tpu.memory_space<vmem>>) target(%dma_start3A_84 : memref<2000x4xf32, #tpu.memory_space<hbm>>) target_semaphore(%run_scoped3A : memref<!tpu.dma_semaphore, #tpu.memory_space<semaphore_mem>>)
      %dma_wait3A_85 = arith.constant 0 : i32
      %dma_wait3A_86 = tpu.memref_slice %arg4[%add3A_42, %dma_wait3A_85] : memref<643072x4xf32, #tpu.memory_space<hbm>> -> memref<2000x4xf32, #tpu.memory_space<hbm>>
      %dma_wait3A_87 = arith.constant 0 : i32
      %dma_wait3A_88 = tpu.memref_slice %arg4[%add3A_42, %dma_wait3A_87] : memref<643072x4xf32, #tpu.memory_space<hbm>> -> memref<2000x4xf32, #tpu.memory_space<hbm>>
      tpu.wait_dma2 semaphore(%run_scoped3A : memref<!tpu.dma_semaphore, #tpu.memory_space<semaphore_mem>>) src(%arg6 : memref<2000x4xf32, #tpu.memory_space<vmem>>) dst(%dma_wait3A_88 : memref<2000x4xf32, #tpu.memory_space<hbm>>)
      tpu.yield
    }) : () -> ()
    %add3A_49 = arith.constant 12000 : i32
    %add3A_50 = arith.addi %mul3A_2, %add3A_49 : i32
    "tpu.region"() ({
      %run_scoped3A = tpu.sem_alloc : memref<!tpu.dma_semaphore, #tpu.memory_space<semaphore_mem>>
      %dma_start3A_81 = tpu.memref_slice %arg3[%add3A_50] : memref<640000xi32, #tpu.memory_space<hbm>> -> memref<2000xi32, #tpu.memory_space<hbm>>
      %dma_start3A_82 = tpu.memref_slice %arg3[%add3A_50] : memref<640000xi32, #tpu.memory_space<hbm>> -> memref<2000xi32, #tpu.memory_space<hbm>>
      tpu.enqueue_dma source(%dma_start3A_82 : memref<2000xi32, #tpu.memory_space<hbm>>) target(%arg5 : memref<2000xi32, #tpu.memory_space<vmem>>) target_semaphore(%run_scoped3A : memref<!tpu.dma_semaphore, #tpu.memory_space<semaphore_mem>>)
      %dma_wait3A_83 = tpu.memref_slice %arg3[%add3A_50] : memref<640000xi32, #tpu.memory_space<hbm>> -> memref<2000xi32, #tpu.memory_space<hbm>>
      %dma_wait3A_84 = tpu.memref_slice %arg3[%add3A_50] : memref<640000xi32, #tpu.memory_space<hbm>> -> memref<2000xi32, #tpu.memory_space<hbm>>
      tpu.wait_dma2 semaphore(%run_scoped3A : memref<!tpu.dma_semaphore, #tpu.memory_space<semaphore_mem>>) src(%dma_wait3A_84 : memref<2000xi32, #tpu.memory_space<hbm>>) dst(%arg5 : memref<2000xi32, #tpu.memory_space<vmem>>)
      tpu.yield
    }) : () -> ()
    %dma_start3A_51 = arith.constant 0 : i32
    %dma_start3A_52 = arith.constant 0 : i32
    %dma_start3A_53 = tpu.memref_slice %arg2[%dma_start3A_51, %dma_start3A_52] : memref<20000x4xf32, #tpu.memory_space<hbm>> -> memref<20000x4xf32, #tpu.memory_space<hbm>>
    tpu.enqueue_indirect_dma source(%dma_start3A_53 : memref<20000x4xf32, #tpu.memory_space<hbm>>) target(%arg6 : memref<2000x4xf32, #tpu.memory_space<vmem>>) offsets(%arg5 : memref<2000xi32, #tpu.memory_space<vmem>>) semaphore(%arg7 : memref<!tpu.dma_semaphore, #tpu.memory_space<semaphore_mem>>)
    %dma_wait3A_54 = arith.constant 0 : i32
    %dma_wait3A_55 = arith.constant 0 : i32
    %dma_wait3A_56 = tpu.memref_slice %arg2[%dma_wait3A_54, %dma_wait3A_55] : memref<20000x4xf32, #tpu.memory_space<hbm>> -> memref<20000x4xf32, #tpu.memory_space<hbm>>
    tpu.wait_indirect_dma semaphore(%arg7 : memref<!tpu.dma_semaphore, #tpu.memory_space<semaphore_mem>>) src(%dma_wait3A_56 : memref<20000x4xf32, #tpu.memory_space<hbm>>) dst(%arg6 : memref<2000x4xf32, #tpu.memory_space<vmem>>)
    "tpu.region"() ({
      %run_scoped3A = tpu.sem_alloc : memref<!tpu.dma_semaphore, #tpu.memory_space<semaphore_mem>>
      %dma_start3A_81 = arith.constant 0 : i32
      %dma_start3A_82 = tpu.memref_slice %arg4[%add3A_50, %dma_start3A_81] : memref<643072x4xf32, #tpu.memory_space<hbm>> -> memref<2000x4xf32, #tpu.memory_space<hbm>>
      %dma_start3A_83 = arith.constant 0 : i32
      %dma_start3A_84 = tpu.memref_slice %arg4[%add3A_50, %dma_start3A_83] : memref<643072x4xf32, #tpu.memory_space<hbm>> -> memref<2000x4xf32, #tpu.memory_space<hbm>>
      tpu.enqueue_dma source(%arg6 : memref<2000x4xf32, #tpu.memory_space<vmem>>) target(%dma_start3A_84 : memref<2000x4xf32, #tpu.memory_space<hbm>>) target_semaphore(%run_scoped3A : memref<!tpu.dma_semaphore, #tpu.memory_space<semaphore_mem>>)
      %dma_wait3A_85 = arith.constant 0 : i32
      %dma_wait3A_86 = tpu.memref_slice %arg4[%add3A_50, %dma_wait3A_85] : memref<643072x4xf32, #tpu.memory_space<hbm>> -> memref<2000x4xf32, #tpu.memory_space<hbm>>
      %dma_wait3A_87 = arith.constant 0 : i32
      %dma_wait3A_88 = tpu.memref_slice %arg4[%add3A_50, %dma_wait3A_87] : memref<643072x4xf32, #tpu.memory_space<hbm>> -> memref<2000x4xf32, #tpu.memory_space<hbm>>
      tpu.wait_dma2 semaphore(%run_scoped3A : memref<!tpu.dma_semaphore, #tpu.memory_space<semaphore_mem>>) src(%arg6 : memref<2000x4xf32, #tpu.memory_space<vmem>>) dst(%dma_wait3A_88 : memref<2000x4xf32, #tpu.memory_space<hbm>>)
      tpu.yield
    }) : () -> ()
    %add3A_57 = arith.constant 14000 : i32
    %add3A_58 = arith.addi %mul3A_2, %add3A_57 : i32
    "tpu.region"() ({
      %run_scoped3A = tpu.sem_alloc : memref<!tpu.dma_semaphore, #tpu.memory_space<semaphore_mem>>
      %dma_start3A_81 = tpu.memref_slice %arg3[%add3A_58] : memref<640000xi32, #tpu.memory_space<hbm>> -> memref<2000xi32, #tpu.memory_space<hbm>>
      %dma_start3A_82 = tpu.memref_slice %arg3[%add3A_58] : memref<640000xi32, #tpu.memory_space<hbm>> -> memref<2000xi32, #tpu.memory_space<hbm>>
      tpu.enqueue_dma source(%dma_start3A_82 : memref<2000xi32, #tpu.memory_space<hbm>>) target(%arg5 : memref<2000xi32, #tpu.memory_space<vmem>>) target_semaphore(%run_scoped3A : memref<!tpu.dma_semaphore, #tpu.memory_space<semaphore_mem>>)
      %dma_wait3A_83 = tpu.memref_slice %arg3[%add3A_58] : memref<640000xi32, #tpu.memory_space<hbm>> -> memref<2000xi32, #tpu.memory_space<hbm>>
      %dma_wait3A_84 = tpu.memref_slice %arg3[%add3A_58] : memref<640000xi32, #tpu.memory_space<hbm>> -> memref<2000xi32, #tpu.memory_space<hbm>>
      tpu.wait_dma2 semaphore(%run_scoped3A : memref<!tpu.dma_semaphore, #tpu.memory_space<semaphore_mem>>) src(%dma_wait3A_84 : memref<2000xi32, #tpu.memory_space<hbm>>) dst(%arg5 : memref<2000xi32, #tpu.memory_space<vmem>>)
      tpu.yield
    }) : () -> ()
    %dma_start3A_59 = arith.constant 0 : i32
    %dma_start3A_60 = arith.constant 0 : i32
    %dma_start3A_61 = tpu.memref_slice %arg2[%dma_start3A_59, %dma_start3A_60] : memref<20000x4xf32, #tpu.memory_space<hbm>> -> memref<20000x4xf32, #tpu.memory_space<hbm>>
    tpu.enqueue_indirect_dma source(%dma_start3A_61 : memref<20000x4xf32, #tpu.memory_space<hbm>>) target(%arg6 : memref<2000x4xf32, #tpu.memory_space<vmem>>) offsets(%arg5 : memref<2000xi32, #tpu.memory_space<vmem>>) semaphore(%arg7 : memref<!tpu.dma_semaphore, #tpu.memory_space<semaphore_mem>>)
    %dma_wait3A_62 = arith.constant 0 : i32
    %dma_wait3A_63 = arith.constant 0 : i32
    %dma_wait3A_64 = tpu.memref_slice %arg2[%dma_wait3A_62, %dma_wait3A_63] : memref<20000x4xf32, #tpu.memory_space<hbm>> -> memref<20000x4xf32, #tpu.memory_space<hbm>>
    tpu.wait_indirect_dma semaphore(%arg7 : memref<!tpu.dma_semaphore, #tpu.memory_space<semaphore_mem>>) src(%dma_wait3A_64 : memref<20000x4xf32, #tpu.memory_space<hbm>>) dst(%arg6 : memref<2000x4xf32, #tpu.memory_space<vmem>>)
    "tpu.region"() ({
      %run_scoped3A = tpu.sem_alloc : memref<!tpu.dma_semaphore, #tpu.memory_space<semaphore_mem>>
      %dma_start3A_81 = arith.constant 0 : i32
      %dma_start3A_82 = tpu.memref_slice %arg4[%add3A_58, %dma_start3A_81] : memref<643072x4xf32, #tpu.memory_space<hbm>> -> memref<2000x4xf32, #tpu.memory_space<hbm>>
      %dma_start3A_83 = arith.constant 0 : i32
      %dma_start3A_84 = tpu.memref_slice %arg4[%add3A_58, %dma_start3A_83] : memref<643072x4xf32, #tpu.memory_space<hbm>> -> memref<2000x4xf32, #tpu.memory_space<hbm>>
      tpu.enqueue_dma source(%arg6 : memref<2000x4xf32, #tpu.memory_space<vmem>>) target(%dma_start3A_84 : memref<2000x4xf32, #tpu.memory_space<hbm>>) target_semaphore(%run_scoped3A : memref<!tpu.dma_semaphore, #tpu.memory_space<semaphore_mem>>)
      %dma_wait3A_85 = arith.constant 0 : i32
      %dma_wait3A_86 = tpu.memref_slice %arg4[%add3A_58, %dma_wait3A_85] : memref<643072x4xf32, #tpu.memory_space<hbm>> -> memref<2000x4xf32, #tpu.memory_space<hbm>>
      %dma_wait3A_87 = arith.constant 0 : i32
      %dma_wait3A_88 = tpu.memref_slice %arg4[%add3A_58, %dma_wait3A_87] : memref<643072x4xf32, #tpu.memory_space<hbm>> -> memref<2000x4xf32, #tpu.memory_space<hbm>>
      tpu.wait_dma2 semaphore(%run_scoped3A : memref<!tpu.dma_semaphore, #tpu.memory_space<semaphore_mem>>) src(%arg6 : memref<2000x4xf32, #tpu.memory_space<vmem>>) dst(%dma_wait3A_88 : memref<2000x4xf32, #tpu.memory_space<hbm>>)
      tpu.yield
    }) : () -> ()
    %add3A_65 = arith.constant 16000 : i32
    %add3A_66 = arith.addi %mul3A_2, %add3A_65 : i32
    "tpu.region"() ({
      %run_scoped3A = tpu.sem_alloc : memref<!tpu.dma_semaphore, #tpu.memory_space<semaphore_mem>>
      %dma_start3A_81 = tpu.memref_slice %arg3[%add3A_66] : memref<640000xi32, #tpu.memory_space<hbm>> -> memref<2000xi32, #tpu.memory_space<hbm>>
      %dma_start3A_82 = tpu.memref_slice %arg3[%add3A_66] : memref<640000xi32, #tpu.memory_space<hbm>> -> memref<2000xi32, #tpu.memory_space<hbm>>
      tpu.enqueue_dma source(%dma_start3A_82 : memref<2000xi32, #tpu.memory_space<hbm>>) target(%arg5 : memref<2000xi32, #tpu.memory_space<vmem>>) target_semaphore(%run_scoped3A : memref<!tpu.dma_semaphore, #tpu.memory_space<semaphore_mem>>)
      %dma_wait3A_83 = tpu.memref_slice %arg3[%add3A_66] : memref<640000xi32, #tpu.memory_space<hbm>> -> memref<2000xi32, #tpu.memory_space<hbm>>
      %dma_wait3A_84 = tpu.memref_slice %arg3[%add3A_66] : memref<640000xi32, #tpu.memory_space<hbm>> -> memref<2000xi32, #tpu.memory_space<hbm>>
      tpu.wait_dma2 semaphore(%run_scoped3A : memref<!tpu.dma_semaphore, #tpu.memory_space<semaphore_mem>>) src(%dma_wait3A_84 : memref<2000xi32, #tpu.memory_space<hbm>>) dst(%arg5 : memref<2000xi32, #tpu.memory_space<vmem>>)
      tpu.yield
    }) : () -> ()
    %dma_start3A_67 = arith.constant 0 : i32
    %dma_start3A_68 = arith.constant 0 : i32
    %dma_start3A_69 = tpu.memref_slice %arg2[%dma_start3A_67, %dma_start3A_68] : memref<20000x4xf32, #tpu.memory_space<hbm>> -> memref<20000x4xf32, #tpu.memory_space<hbm>>
    tpu.enqueue_indirect_dma source(%dma_start3A_69 : memref<20000x4xf32, #tpu.memory_space<hbm>>) target(%arg6 : memref<2000x4xf32, #tpu.memory_space<vmem>>) offsets(%arg5 : memref<2000xi32, #tpu.memory_space<vmem>>) semaphore(%arg7 : memref<!tpu.dma_semaphore, #tpu.memory_space<semaphore_mem>>)
    %dma_wait3A_70 = arith.constant 0 : i32
    %dma_wait3A_71 = arith.constant 0 : i32
    %dma_wait3A_72 = tpu.memref_slice %arg2[%dma_wait3A_70, %dma_wait3A_71] : memref<20000x4xf32, #tpu.memory_space<hbm>> -> memref<20000x4xf32, #tpu.memory_space<hbm>>
    tpu.wait_indirect_dma semaphore(%arg7 : memref<!tpu.dma_semaphore, #tpu.memory_space<semaphore_mem>>) src(%dma_wait3A_72 : memref<20000x4xf32, #tpu.memory_space<hbm>>) dst(%arg6 : memref<2000x4xf32, #tpu.memory_space<vmem>>)
    "tpu.region"() ({
      %run_scoped3A = tpu.sem_alloc : memref<!tpu.dma_semaphore, #tpu.memory_space<semaphore_mem>>
      %dma_start3A_81 = arith.constant 0 : i32
      %dma_start3A_82 = tpu.memref_slice %arg4[%add3A_66, %dma_start3A_81] : memref<643072x4xf32, #tpu.memory_space<hbm>> -> memref<2000x4xf32, #tpu.memory_space<hbm>>
      %dma_start3A_83 = arith.constant 0 : i32
      %dma_start3A_84 = tpu.memref_slice %arg4[%add3A_66, %dma_start3A_83] : memref<643072x4xf32, #tpu.memory_space<hbm>> -> memref<2000x4xf32, #tpu.memory_space<hbm>>
      tpu.enqueue_dma source(%arg6 : memref<2000x4xf32, #tpu.memory_space<vmem>>) target(%dma_start3A_84 : memref<2000x4xf32, #tpu.memory_space<hbm>>) target_semaphore(%run_scoped3A : memref<!tpu.dma_semaphore, #tpu.memory_space<semaphore_mem>>)
      %dma_wait3A_85 = arith.constant 0 : i32
      %dma_wait3A_86 = tpu.memref_slice %arg4[%add3A_66, %dma_wait3A_85] : memref<643072x4xf32, #tpu.memory_space<hbm>> -> memref<2000x4xf32, #tpu.memory_space<hbm>>
      %dma_wait3A_87 = arith.constant 0 : i32
      %dma_wait3A_88 = tpu.memref_slice %arg4[%add3A_66, %dma_wait3A_87] : memref<643072x4xf32, #tpu.memory_space<hbm>> -> memref<2000x4xf32, #tpu.memory_space<hbm>>
      tpu.wait_dma2 semaphore(%run_scoped3A : memref<!tpu.dma_semaphore, #tpu.memory_space<semaphore_mem>>) src(%arg6 : memref<2000x4xf32, #tpu.memory_space<vmem>>) dst(%dma_wait3A_88 : memref<2000x4xf32, #tpu.memory_space<hbm>>)
      tpu.yield
    }) : () -> ()
    %add3A_73 = arith.constant 18000 : i32
    %add3A_74 = arith.addi %mul3A_2, %add3A_73 : i32
    "tpu.region"() ({
      %run_scoped3A = tpu.sem_alloc : memref<!tpu.dma_semaphore, #tpu.memory_space<semaphore_mem>>
      %dma_start3A_81 = tpu.memref_slice %arg3[%add3A_74] : memref<640000xi32, #tpu.memory_space<hbm>> -> memref<2000xi32, #tpu.memory_space<hbm>>
      %dma_start3A_82 = tpu.memref_slice %arg3[%add3A_74] : memref<640000xi32, #tpu.memory_space<hbm>> -> memref<2000xi32, #tpu.memory_space<hbm>>
      tpu.enqueue_dma source(%dma_start3A_82 : memref<2000xi32, #tpu.memory_space<hbm>>) target(%arg5 : memref<2000xi32, #tpu.memory_space<vmem>>) target_semaphore(%run_scoped3A : memref<!tpu.dma_semaphore, #tpu.memory_space<semaphore_mem>>)
      %dma_wait3A_83 = tpu.memref_slice %arg3[%add3A_74] : memref<640000xi32, #tpu.memory_space<hbm>> -> memref<2000xi32, #tpu.memory_space<hbm>>
      %dma_wait3A_84 = tpu.memref_slice %arg3[%add3A_74] : memref<640000xi32, #tpu.memory_space<hbm>> -> memref<2000xi32, #tpu.memory_space<hbm>>
      tpu.wait_dma2 semaphore(%run_scoped3A : memref<!tpu.dma_semaphore, #tpu.memory_space<semaphore_mem>>) src(%dma_wait3A_84 : memref<2000xi32, #tpu.memory_space<hbm>>) dst(%arg5 : memref<2000xi32, #tpu.memory_space<vmem>>)
      tpu.yield
    }) : () -> ()
    %dma_start3A_75 = arith.constant 0 : i32
    %dma_start3A_76 = arith.constant 0 : i32
    %dma_start3A_77 = tpu.memref_slice %arg2[%dma_start3A_75, %dma_start3A_76] : memref<20000x4xf32, #tpu.memory_space<hbm>> -> memref<20000x4xf32, #tpu.memory_space<hbm>>
    tpu.enqueue_indirect_dma source(%dma_start3A_77 : memref<20000x4xf32, #tpu.memory_space<hbm>>) target(%arg6 : memref<2000x4xf32, #tpu.memory_space<vmem>>) offsets(%arg5 : memref<2000xi32, #tpu.memory_space<vmem>>) semaphore(%arg7 : memref<!tpu.dma_semaphore, #tpu.memory_space<semaphore_mem>>)
    %dma_wait3A_78 = arith.constant 0 : i32
    %dma_wait3A_79 = arith.constant 0 : i32
    %dma_wait3A_80 = tpu.memref_slice %arg2[%dma_wait3A_78, %dma_wait3A_79] : memref<20000x4xf32, #tpu.memory_space<hbm>> -> memref<20000x4xf32, #tpu.memory_space<hbm>>
    tpu.wait_indirect_dma semaphore(%arg7 : memref<!tpu.dma_semaphore, #tpu.memory_space<semaphore_mem>>) src(%dma_wait3A_80 : memref<20000x4xf32, #tpu.memory_space<hbm>>) dst(%arg6 : memref<2000x4xf32, #tpu.memory_space<vmem>>)
    "tpu.region"() ({
      %run_scoped3A = tpu.sem_alloc : memref<!tpu.dma_semaphore, #tpu.memory_space<semaphore_mem>>
      %dma_start3A_81 = arith.constant 0 : i32
      %dma_start3A_82 = tpu.memref_slice %arg4[%add3A_74, %dma_start3A_81] : memref<643072x4xf32, #tpu.memory_space<hbm>> -> memref<2000x4xf32, #tpu.memory_space<hbm>>
      %dma_start3A_83 = arith.constant 0 : i32
      %dma_start3A_84 = tpu.memref_slice %arg4[%add3A_74, %dma_start3A_83] : memref<643072x4xf32, #tpu.memory_space<hbm>> -> memref<2000x4xf32, #tpu.memory_space<hbm>>
      tpu.enqueue_dma source(%arg6 : memref<2000x4xf32, #tpu.memory_space<vmem>>) target(%dma_start3A_84 : memref<2000x4xf32, #tpu.memory_space<hbm>>) target_semaphore(%run_scoped3A : memref<!tpu.dma_semaphore, #tpu.memory_space<semaphore_mem>>)
      %dma_wait3A_85 = arith.constant 0 : i32
      %dma_wait3A_86 = tpu.memref_slice %arg4[%add3A_74, %dma_wait3A_85] : memref<643072x4xf32, #tpu.memory_space<hbm>> -> memref<2000x4xf32, #tpu.memory_space<hbm>>
      %dma_wait3A_87 = arith.constant 0 : i32
      %dma_wait3A_88 = tpu.memref_slice %arg4[%add3A_74, %dma_wait3A_87] : memref<643072x4xf32, #tpu.memory_space<hbm>> -> memref<2000x4xf32, #tpu.memory_space<hbm>>
      tpu.wait_dma2 semaphore(%run_scoped3A : memref<!tpu.dma_semaphore, #tpu.memory_space<semaphore_mem>>) src(%arg6 : memref<2000x4xf32, #tpu.memory_space<vmem>>) dst(%dma_wait3A_88 : memref<2000x4xf32, #tpu.memory_space<hbm>>)
      tpu.yield
    }) : () -> ()
    return
  }
}

module attributes {stable_mosaic.version = 14 : i64} {
  func.func @_tc_body(%arg0: i32, %arg1: memref<128x128xf32, #tpu.memory_space<vmem>>, %arg2: memref<3x128xf32, #tpu.memory_space<vmem>>, %arg3: memref<64x5xf32, #tpu.memory_space<vmem>>, %arg4: memref<64x64xf32, #tpu.memory_space<vmem>>, %arg5: memref<64x64xf32, #tpu.memory_space<vmem>>, %arg6: memref<5x64xf32, #tpu.memory_space<vmem>>, %arg7: memref<64x1xf32, #tpu.memory_space<vmem>>, %arg8: memref<64x1xf32, #tpu.memory_space<vmem>>, %arg9: memref<64x1xf32, #tpu.memory_space<vmem>>, %arg10: memref<3x128xf32, #tpu.memory_space<vmem>>) attributes {dimension_semantics = [#tpu.dimension_semantics<arbitrary>], iteration_bounds = array<i64: 157>, scalar_prefetch = 0 : i64, scratch_operands = 0 : i64, tpu.core_type = #tpu.core_type<tc>, window_params = [{transform_indices = @transform_0, window_bounds = array<i64: 128, 128>}, {transform_indices = @transform_1, window_bounds = array<i64: 3, 128>}, {pipeline_mode = #tpu.pipeline_mode<synchronous>, transform_indices = @transform_2, window_bounds = array<i64: 64, 5>}, {pipeline_mode = #tpu.pipeline_mode<synchronous>, transform_indices = @transform_3, window_bounds = array<i64: 64, 64>}, {pipeline_mode = #tpu.pipeline_mode<synchronous>, transform_indices = @transform_4, window_bounds = array<i64: 64, 64>}, {pipeline_mode = #tpu.pipeline_mode<synchronous>, transform_indices = @transform_5, window_bounds = array<i64: 5, 64>}, {pipeline_mode = #tpu.pipeline_mode<synchronous>, transform_indices = @transform_6, window_bounds = array<i64: 64, 1>}, {pipeline_mode = #tpu.pipeline_mode<synchronous>, transform_indices = @transform_7, window_bounds = array<i64: 64, 1>}, {pipeline_mode = #tpu.pipeline_mode<synchronous>, transform_indices = @transform_8, window_bounds = array<i64: 64, 1>}, {transform_indices = @transform_9, window_bounds = array<i64: 3, 128>}]} {
    %get3A = arith.constant 0 : index
    %get3A_0 = arith.constant 0 : index
    %get3A_1 = vector.load %arg1[%get3A, %get3A_0] : memref<128x128xf32, #tpu.memory_space<vmem>>, vector<128x128xf32>
    %transpose3A = tpu.transpose %get3A_1, [1, 0] : vector<128x128xf32> -> vector<128x128xf32>
    %slice3A = vector.extract_strided_slice %transpose3A {offsets = [0, 0], sizes = [1, 128], strides = [1, 1]} : vector<128x128xf32> to vector<1x128xf32>
    %slice3A_2 = vector.extract_strided_slice %transpose3A {offsets = [4, 0], sizes = [1, 128], strides = [1, 1]} : vector<128x128xf32> to vector<1x128xf32>
    %slice3A_3 = vector.extract_strided_slice %transpose3A {offsets = [8, 0], sizes = [1, 128], strides = [1, 1]} : vector<128x128xf32> to vector<1x128xf32>
    %slice3A_4 = vector.extract_strided_slice %transpose3A {offsets = [12, 0], sizes = [1, 128], strides = [1, 1]} : vector<128x128xf32> to vector<1x128xf32>
    %slice3A_5 = vector.extract_strided_slice %transpose3A {offsets = [16, 0], sizes = [1, 128], strides = [1, 1]} : vector<128x128xf32> to vector<1x128xf32>
    %slice3A_6 = vector.extract_strided_slice %transpose3A {offsets = [20, 0], sizes = [1, 128], strides = [1, 1]} : vector<128x128xf32> to vector<1x128xf32>
    %slice3A_7 = vector.extract_strided_slice %transpose3A {offsets = [24, 0], sizes = [1, 128], strides = [1, 1]} : vector<128x128xf32> to vector<1x128xf32>
    %slice3A_8 = vector.extract_strided_slice %transpose3A {offsets = [28, 0], sizes = [1, 128], strides = [1, 1]} : vector<128x128xf32> to vector<1x128xf32>
    %slice3A_9 = vector.extract_strided_slice %transpose3A {offsets = [32, 0], sizes = [1, 128], strides = [1, 1]} : vector<128x128xf32> to vector<1x128xf32>
    %slice3A_10 = vector.extract_strided_slice %transpose3A {offsets = [36, 0], sizes = [1, 128], strides = [1, 1]} : vector<128x128xf32> to vector<1x128xf32>
    %slice3A_11 = vector.extract_strided_slice %transpose3A {offsets = [40, 0], sizes = [1, 128], strides = [1, 1]} : vector<128x128xf32> to vector<1x128xf32>
    %slice3A_12 = vector.extract_strided_slice %transpose3A {offsets = [44, 0], sizes = [1, 128], strides = [1, 1]} : vector<128x128xf32> to vector<1x128xf32>
    %slice3A_13 = vector.extract_strided_slice %transpose3A {offsets = [48, 0], sizes = [1, 128], strides = [1, 1]} : vector<128x128xf32> to vector<1x128xf32>
    %slice3A_14 = vector.extract_strided_slice %transpose3A {offsets = [52, 0], sizes = [1, 128], strides = [1, 1]} : vector<128x128xf32> to vector<1x128xf32>
    %slice3A_15 = vector.extract_strided_slice %transpose3A {offsets = [56, 0], sizes = [1, 128], strides = [1, 1]} : vector<128x128xf32> to vector<1x128xf32>
    %slice3A_16 = vector.extract_strided_slice %transpose3A {offsets = [60, 0], sizes = [1, 128], strides = [1, 1]} : vector<128x128xf32> to vector<1x128xf32>
    %slice3A_17 = vector.extract_strided_slice %transpose3A {offsets = [64, 0], sizes = [1, 128], strides = [1, 1]} : vector<128x128xf32> to vector<1x128xf32>
    %slice3A_18 = vector.extract_strided_slice %transpose3A {offsets = [68, 0], sizes = [1, 128], strides = [1, 1]} : vector<128x128xf32> to vector<1x128xf32>
    %slice3A_19 = vector.extract_strided_slice %transpose3A {offsets = [72, 0], sizes = [1, 128], strides = [1, 1]} : vector<128x128xf32> to vector<1x128xf32>
    %slice3A_20 = vector.extract_strided_slice %transpose3A {offsets = [76, 0], sizes = [1, 128], strides = [1, 1]} : vector<128x128xf32> to vector<1x128xf32>
    %slice3A_21 = vector.extract_strided_slice %transpose3A {offsets = [80, 0], sizes = [1, 128], strides = [1, 1]} : vector<128x128xf32> to vector<1x128xf32>
    %slice3A_22 = vector.extract_strided_slice %transpose3A {offsets = [84, 0], sizes = [1, 128], strides = [1, 1]} : vector<128x128xf32> to vector<1x128xf32>
    %slice3A_23 = vector.extract_strided_slice %transpose3A {offsets = [88, 0], sizes = [1, 128], strides = [1, 1]} : vector<128x128xf32> to vector<1x128xf32>
    %slice3A_24 = vector.extract_strided_slice %transpose3A {offsets = [92, 0], sizes = [1, 128], strides = [1, 1]} : vector<128x128xf32> to vector<1x128xf32>
    %slice3A_25 = vector.extract_strided_slice %transpose3A {offsets = [96, 0], sizes = [1, 128], strides = [1, 1]} : vector<128x128xf32> to vector<1x128xf32>
    %slice3A_26 = vector.extract_strided_slice %transpose3A {offsets = [100, 0], sizes = [1, 128], strides = [1, 1]} : vector<128x128xf32> to vector<1x128xf32>
    %slice3A_27 = vector.extract_strided_slice %transpose3A {offsets = [104, 0], sizes = [1, 128], strides = [1, 1]} : vector<128x128xf32> to vector<1x128xf32>
    %slice3A_28 = vector.extract_strided_slice %transpose3A {offsets = [108, 0], sizes = [1, 128], strides = [1, 1]} : vector<128x128xf32> to vector<1x128xf32>
    %slice3A_29 = vector.extract_strided_slice %transpose3A {offsets = [112, 0], sizes = [1, 128], strides = [1, 1]} : vector<128x128xf32> to vector<1x128xf32>
    %slice3A_30 = vector.extract_strided_slice %transpose3A {offsets = [116, 0], sizes = [1, 128], strides = [1, 1]} : vector<128x128xf32> to vector<1x128xf32>
    %slice3A_31 = vector.extract_strided_slice %transpose3A {offsets = [120, 0], sizes = [1, 128], strides = [1, 1]} : vector<128x128xf32> to vector<1x128xf32>
    %slice3A_32 = vector.extract_strided_slice %transpose3A {offsets = [124, 0], sizes = [1, 128], strides = [1, 1]} : vector<128x128xf32> to vector<1x128xf32>
    %concatenate3A = tpu.concatenate %slice3A, %slice3A_2, %slice3A_3, %slice3A_4, %slice3A_5, %slice3A_6, %slice3A_7, %slice3A_8, %slice3A_9, %slice3A_10, %slice3A_11, %slice3A_12, %slice3A_13, %slice3A_14, %slice3A_15, %slice3A_16, %slice3A_17, %slice3A_18, %slice3A_19, %slice3A_20, %slice3A_21, %slice3A_22, %slice3A_23, %slice3A_24, %slice3A_25, %slice3A_26, %slice3A_27, %slice3A_28, %slice3A_29, %slice3A_30, %slice3A_31, %slice3A_32 in 1 : vector<1x128xf32>, vector<1x128xf32>, vector<1x128xf32>, vector<1x128xf32>, vector<1x128xf32>, vector<1x128xf32>, vector<1x128xf32>, vector<1x128xf32>, vector<1x128xf32>, vector<1x128xf32>, vector<1x128xf32>, vector<1x128xf32>, vector<1x128xf32>, vector<1x128xf32>, vector<1x128xf32>, vector<1x128xf32>, vector<1x128xf32>, vector<1x128xf32>, vector<1x128xf32>, vector<1x128xf32>, vector<1x128xf32>, vector<1x128xf32>, vector<1x128xf32>, vector<1x128xf32>, vector<1x128xf32>, vector<1x128xf32>, vector<1x128xf32>, vector<1x128xf32>, vector<1x128xf32>, vector<1x128xf32>, vector<1x128xf32>, vector<1x128xf32> -> vector<1x4096xf32>
    %slice3A_33 = vector.extract_strided_slice %transpose3A {offsets = [1, 0], sizes = [1, 128], strides = [1, 1]} : vector<128x128xf32> to vector<1x128xf32>
    %slice3A_34 = vector.extract_strided_slice %transpose3A {offsets = [5, 0], sizes = [1, 128], strides = [1, 1]} : vector<128x128xf32> to vector<1x128xf32>
    %slice3A_35 = vector.extract_strided_slice %transpose3A {offsets = [9, 0], sizes = [1, 128], strides = [1, 1]} : vector<128x128xf32> to vector<1x128xf32>
    %slice3A_36 = vector.extract_strided_slice %transpose3A {offsets = [13, 0], sizes = [1, 128], strides = [1, 1]} : vector<128x128xf32> to vector<1x128xf32>
    %slice3A_37 = vector.extract_strided_slice %transpose3A {offsets = [17, 0], sizes = [1, 128], strides = [1, 1]} : vector<128x128xf32> to vector<1x128xf32>
    %slice3A_38 = vector.extract_strided_slice %transpose3A {offsets = [21, 0], sizes = [1, 128], strides = [1, 1]} : vector<128x128xf32> to vector<1x128xf32>
    %slice3A_39 = vector.extract_strided_slice %transpose3A {offsets = [25, 0], sizes = [1, 128], strides = [1, 1]} : vector<128x128xf32> to vector<1x128xf32>
    %slice3A_40 = vector.extract_strided_slice %transpose3A {offsets = [29, 0], sizes = [1, 128], strides = [1, 1]} : vector<128x128xf32> to vector<1x128xf32>
    %slice3A_41 = vector.extract_strided_slice %transpose3A {offsets = [33, 0], sizes = [1, 128], strides = [1, 1]} : vector<128x128xf32> to vector<1x128xf32>
    %slice3A_42 = vector.extract_strided_slice %transpose3A {offsets = [37, 0], sizes = [1, 128], strides = [1, 1]} : vector<128x128xf32> to vector<1x128xf32>
    %slice3A_43 = vector.extract_strided_slice %transpose3A {offsets = [41, 0], sizes = [1, 128], strides = [1, 1]} : vector<128x128xf32> to vector<1x128xf32>
    %slice3A_44 = vector.extract_strided_slice %transpose3A {offsets = [45, 0], sizes = [1, 128], strides = [1, 1]} : vector<128x128xf32> to vector<1x128xf32>
    %slice3A_45 = vector.extract_strided_slice %transpose3A {offsets = [49, 0], sizes = [1, 128], strides = [1, 1]} : vector<128x128xf32> to vector<1x128xf32>
    %slice3A_46 = vector.extract_strided_slice %transpose3A {offsets = [53, 0], sizes = [1, 128], strides = [1, 1]} : vector<128x128xf32> to vector<1x128xf32>
    %slice3A_47 = vector.extract_strided_slice %transpose3A {offsets = [57, 0], sizes = [1, 128], strides = [1, 1]} : vector<128x128xf32> to vector<1x128xf32>
    %slice3A_48 = vector.extract_strided_slice %transpose3A {offsets = [61, 0], sizes = [1, 128], strides = [1, 1]} : vector<128x128xf32> to vector<1x128xf32>
    %slice3A_49 = vector.extract_strided_slice %transpose3A {offsets = [65, 0], sizes = [1, 128], strides = [1, 1]} : vector<128x128xf32> to vector<1x128xf32>
    %slice3A_50 = vector.extract_strided_slice %transpose3A {offsets = [69, 0], sizes = [1, 128], strides = [1, 1]} : vector<128x128xf32> to vector<1x128xf32>
    %slice3A_51 = vector.extract_strided_slice %transpose3A {offsets = [73, 0], sizes = [1, 128], strides = [1, 1]} : vector<128x128xf32> to vector<1x128xf32>
    %slice3A_52 = vector.extract_strided_slice %transpose3A {offsets = [77, 0], sizes = [1, 128], strides = [1, 1]} : vector<128x128xf32> to vector<1x128xf32>
    %slice3A_53 = vector.extract_strided_slice %transpose3A {offsets = [81, 0], sizes = [1, 128], strides = [1, 1]} : vector<128x128xf32> to vector<1x128xf32>
    %slice3A_54 = vector.extract_strided_slice %transpose3A {offsets = [85, 0], sizes = [1, 128], strides = [1, 1]} : vector<128x128xf32> to vector<1x128xf32>
    %slice3A_55 = vector.extract_strided_slice %transpose3A {offsets = [89, 0], sizes = [1, 128], strides = [1, 1]} : vector<128x128xf32> to vector<1x128xf32>
    %slice3A_56 = vector.extract_strided_slice %transpose3A {offsets = [93, 0], sizes = [1, 128], strides = [1, 1]} : vector<128x128xf32> to vector<1x128xf32>
    %slice3A_57 = vector.extract_strided_slice %transpose3A {offsets = [97, 0], sizes = [1, 128], strides = [1, 1]} : vector<128x128xf32> to vector<1x128xf32>
    %slice3A_58 = vector.extract_strided_slice %transpose3A {offsets = [101, 0], sizes = [1, 128], strides = [1, 1]} : vector<128x128xf32> to vector<1x128xf32>
    %slice3A_59 = vector.extract_strided_slice %transpose3A {offsets = [105, 0], sizes = [1, 128], strides = [1, 1]} : vector<128x128xf32> to vector<1x128xf32>
    %slice3A_60 = vector.extract_strided_slice %transpose3A {offsets = [109, 0], sizes = [1, 128], strides = [1, 1]} : vector<128x128xf32> to vector<1x128xf32>
    %slice3A_61 = vector.extract_strided_slice %transpose3A {offsets = [113, 0], sizes = [1, 128], strides = [1, 1]} : vector<128x128xf32> to vector<1x128xf32>
    %slice3A_62 = vector.extract_strided_slice %transpose3A {offsets = [117, 0], sizes = [1, 128], strides = [1, 1]} : vector<128x128xf32> to vector<1x128xf32>
    %slice3A_63 = vector.extract_strided_slice %transpose3A {offsets = [121, 0], sizes = [1, 128], strides = [1, 1]} : vector<128x128xf32> to vector<1x128xf32>
    %slice3A_64 = vector.extract_strided_slice %transpose3A {offsets = [125, 0], sizes = [1, 128], strides = [1, 1]} : vector<128x128xf32> to vector<1x128xf32>
    %concatenate3A_65 = tpu.concatenate %slice3A_33, %slice3A_34, %slice3A_35, %slice3A_36, %slice3A_37, %slice3A_38, %slice3A_39, %slice3A_40, %slice3A_41, %slice3A_42, %slice3A_43, %slice3A_44, %slice3A_45, %slice3A_46, %slice3A_47, %slice3A_48, %slice3A_49, %slice3A_50, %slice3A_51, %slice3A_52, %slice3A_53, %slice3A_54, %slice3A_55, %slice3A_56, %slice3A_57, %slice3A_58, %slice3A_59, %slice3A_60, %slice3A_61, %slice3A_62, %slice3A_63, %slice3A_64 in 1 : vector<1x128xf32>, vector<1x128xf32>, vector<1x128xf32>, vector<1x128xf32>, vector<1x128xf32>, vector<1x128xf32>, vector<1x128xf32>, vector<1x128xf32>, vector<1x128xf32>, vector<1x128xf32>, vector<1x128xf32>, vector<1x128xf32>, vector<1x128xf32>, vector<1x128xf32>, vector<1x128xf32>, vector<1x128xf32>, vector<1x128xf32>, vector<1x128xf32>, vector<1x128xf32>, vector<1x128xf32>, vector<1x128xf32>, vector<1x128xf32>, vector<1x128xf32>, vector<1x128xf32>, vector<1x128xf32>, vector<1x128xf32>, vector<1x128xf32>, vector<1x128xf32>, vector<1x128xf32>, vector<1x128xf32>, vector<1x128xf32>, vector<1x128xf32> -> vector<1x4096xf32>
    %slice3A_66 = vector.extract_strided_slice %transpose3A {offsets = [2, 0], sizes = [1, 128], strides = [1, 1]} : vector<128x128xf32> to vector<1x128xf32>
    %slice3A_67 = vector.extract_strided_slice %transpose3A {offsets = [6, 0], sizes = [1, 128], strides = [1, 1]} : vector<128x128xf32> to vector<1x128xf32>
    %slice3A_68 = vector.extract_strided_slice %transpose3A {offsets = [10, 0], sizes = [1, 128], strides = [1, 1]} : vector<128x128xf32> to vector<1x128xf32>
    %slice3A_69 = vector.extract_strided_slice %transpose3A {offsets = [14, 0], sizes = [1, 128], strides = [1, 1]} : vector<128x128xf32> to vector<1x128xf32>
    %slice3A_70 = vector.extract_strided_slice %transpose3A {offsets = [18, 0], sizes = [1, 128], strides = [1, 1]} : vector<128x128xf32> to vector<1x128xf32>
    %slice3A_71 = vector.extract_strided_slice %transpose3A {offsets = [22, 0], sizes = [1, 128], strides = [1, 1]} : vector<128x128xf32> to vector<1x128xf32>
    %slice3A_72 = vector.extract_strided_slice %transpose3A {offsets = [26, 0], sizes = [1, 128], strides = [1, 1]} : vector<128x128xf32> to vector<1x128xf32>
    %slice3A_73 = vector.extract_strided_slice %transpose3A {offsets = [30, 0], sizes = [1, 128], strides = [1, 1]} : vector<128x128xf32> to vector<1x128xf32>
    %slice3A_74 = vector.extract_strided_slice %transpose3A {offsets = [34, 0], sizes = [1, 128], strides = [1, 1]} : vector<128x128xf32> to vector<1x128xf32>
    %slice3A_75 = vector.extract_strided_slice %transpose3A {offsets = [38, 0], sizes = [1, 128], strides = [1, 1]} : vector<128x128xf32> to vector<1x128xf32>
    %slice3A_76 = vector.extract_strided_slice %transpose3A {offsets = [42, 0], sizes = [1, 128], strides = [1, 1]} : vector<128x128xf32> to vector<1x128xf32>
    %slice3A_77 = vector.extract_strided_slice %transpose3A {offsets = [46, 0], sizes = [1, 128], strides = [1, 1]} : vector<128x128xf32> to vector<1x128xf32>
    %slice3A_78 = vector.extract_strided_slice %transpose3A {offsets = [50, 0], sizes = [1, 128], strides = [1, 1]} : vector<128x128xf32> to vector<1x128xf32>
    %slice3A_79 = vector.extract_strided_slice %transpose3A {offsets = [54, 0], sizes = [1, 128], strides = [1, 1]} : vector<128x128xf32> to vector<1x128xf32>
    %slice3A_80 = vector.extract_strided_slice %transpose3A {offsets = [58, 0], sizes = [1, 128], strides = [1, 1]} : vector<128x128xf32> to vector<1x128xf32>
    %slice3A_81 = vector.extract_strided_slice %transpose3A {offsets = [62, 0], sizes = [1, 128], strides = [1, 1]} : vector<128x128xf32> to vector<1x128xf32>
    %slice3A_82 = vector.extract_strided_slice %transpose3A {offsets = [66, 0], sizes = [1, 128], strides = [1, 1]} : vector<128x128xf32> to vector<1x128xf32>
    %slice3A_83 = vector.extract_strided_slice %transpose3A {offsets = [70, 0], sizes = [1, 128], strides = [1, 1]} : vector<128x128xf32> to vector<1x128xf32>
    %slice3A_84 = vector.extract_strided_slice %transpose3A {offsets = [74, 0], sizes = [1, 128], strides = [1, 1]} : vector<128x128xf32> to vector<1x128xf32>
    %slice3A_85 = vector.extract_strided_slice %transpose3A {offsets = [78, 0], sizes = [1, 128], strides = [1, 1]} : vector<128x128xf32> to vector<1x128xf32>
    %slice3A_86 = vector.extract_strided_slice %transpose3A {offsets = [82, 0], sizes = [1, 128], strides = [1, 1]} : vector<128x128xf32> to vector<1x128xf32>
    %slice3A_87 = vector.extract_strided_slice %transpose3A {offsets = [86, 0], sizes = [1, 128], strides = [1, 1]} : vector<128x128xf32> to vector<1x128xf32>
    %slice3A_88 = vector.extract_strided_slice %transpose3A {offsets = [90, 0], sizes = [1, 128], strides = [1, 1]} : vector<128x128xf32> to vector<1x128xf32>
    %slice3A_89 = vector.extract_strided_slice %transpose3A {offsets = [94, 0], sizes = [1, 128], strides = [1, 1]} : vector<128x128xf32> to vector<1x128xf32>
    %slice3A_90 = vector.extract_strided_slice %transpose3A {offsets = [98, 0], sizes = [1, 128], strides = [1, 1]} : vector<128x128xf32> to vector<1x128xf32>
    %slice3A_91 = vector.extract_strided_slice %transpose3A {offsets = [102, 0], sizes = [1, 128], strides = [1, 1]} : vector<128x128xf32> to vector<1x128xf32>
    %slice3A_92 = vector.extract_strided_slice %transpose3A {offsets = [106, 0], sizes = [1, 128], strides = [1, 1]} : vector<128x128xf32> to vector<1x128xf32>
    %slice3A_93 = vector.extract_strided_slice %transpose3A {offsets = [110, 0], sizes = [1, 128], strides = [1, 1]} : vector<128x128xf32> to vector<1x128xf32>
    %slice3A_94 = vector.extract_strided_slice %transpose3A {offsets = [114, 0], sizes = [1, 128], strides = [1, 1]} : vector<128x128xf32> to vector<1x128xf32>
    %slice3A_95 = vector.extract_strided_slice %transpose3A {offsets = [118, 0], sizes = [1, 128], strides = [1, 1]} : vector<128x128xf32> to vector<1x128xf32>
    %slice3A_96 = vector.extract_strided_slice %transpose3A {offsets = [122, 0], sizes = [1, 128], strides = [1, 1]} : vector<128x128xf32> to vector<1x128xf32>
    %slice3A_97 = vector.extract_strided_slice %transpose3A {offsets = [126, 0], sizes = [1, 128], strides = [1, 1]} : vector<128x128xf32> to vector<1x128xf32>
    %concatenate3A_98 = tpu.concatenate %slice3A_66, %slice3A_67, %slice3A_68, %slice3A_69, %slice3A_70, %slice3A_71, %slice3A_72, %slice3A_73, %slice3A_74, %slice3A_75, %slice3A_76, %slice3A_77, %slice3A_78, %slice3A_79, %slice3A_80, %slice3A_81, %slice3A_82, %slice3A_83, %slice3A_84, %slice3A_85, %slice3A_86, %slice3A_87, %slice3A_88, %slice3A_89, %slice3A_90, %slice3A_91, %slice3A_92, %slice3A_93, %slice3A_94, %slice3A_95, %slice3A_96, %slice3A_97 in 1 : vector<1x128xf32>, vector<1x128xf32>, vector<1x128xf32>, vector<1x128xf32>, vector<1x128xf32>, vector<1x128xf32>, vector<1x128xf32>, vector<1x128xf32>, vector<1x128xf32>, vector<1x128xf32>, vector<1x128xf32>, vector<1x128xf32>, vector<1x128xf32>, vector<1x128xf32>, vector<1x128xf32>, vector<1x128xf32>, vector<1x128xf32>, vector<1x128xf32>, vector<1x128xf32>, vector<1x128xf32>, vector<1x128xf32>, vector<1x128xf32>, vector<1x128xf32>, vector<1x128xf32>, vector<1x128xf32>, vector<1x128xf32>, vector<1x128xf32>, vector<1x128xf32>, vector<1x128xf32>, vector<1x128xf32>, vector<1x128xf32>, vector<1x128xf32> -> vector<1x4096xf32>
    %concatenate3A_99 = tpu.concatenate %concatenate3A, %concatenate3A_65, %concatenate3A_98 in 0 : vector<1x4096xf32>, vector<1x4096xf32>, vector<1x4096xf32> -> vector<3x4096xf32>
    %get3A_100 = arith.constant 0 : index
    %get3A_101 = arith.constant 0 : index
    %get3A_102 = vector.load %arg2[%get3A_100, %get3A_101] : memref<3x128xf32, #tpu.memory_space<vmem>>, vector<3x128xf32>
    %concatenate3A_103 = tpu.concatenate %get3A_102, %get3A_102, %get3A_102, %get3A_102, %get3A_102, %get3A_102, %get3A_102, %get3A_102, %get3A_102, %get3A_102, %get3A_102, %get3A_102, %get3A_102, %get3A_102, %get3A_102, %get3A_102, %get3A_102, %get3A_102, %get3A_102, %get3A_102, %get3A_102, %get3A_102, %get3A_102, %get3A_102, %get3A_102, %get3A_102, %get3A_102, %get3A_102, %get3A_102, %get3A_102, %get3A_102, %get3A_102 in 1 : vector<3x128xf32>, vector<3x128xf32>, vector<3x128xf32>, vector<3x128xf32>, vector<3x128xf32>, vector<3x128xf32>, vector<3x128xf32>, vector<3x128xf32>, vector<3x128xf32>, vector<3x128xf32>, vector<3x128xf32>, vector<3x128xf32>, vector<3x128xf32>, vector<3x128xf32>, vector<3x128xf32>, vector<3x128xf32>, vector<3x128xf32>, vector<3x128xf32>, vector<3x128xf32>, vector<3x128xf32>, vector<3x128xf32>, vector<3x128xf32>, vector<3x128xf32>, vector<3x128xf32>, vector<3x128xf32>, vector<3x128xf32>, vector<3x128xf32>, vector<3x128xf32>, vector<3x128xf32>, vector<3x128xf32>, vector<3x128xf32>, vector<3x128xf32> -> vector<3x4096xf32>
    %sub3A = arith.subf %concatenate3A_103, %concatenate3A_99 : vector<3x4096xf32>
    %gt3A = arith.constant 5.000000e-01 : f32
    %gt3A_104 = vector.broadcast %gt3A : f32 to vector<3x4096xf32>
    %gt3A_105 = arith.cmpf ogt, %sub3A, %gt3A_104 : vector<3x4096xf32>
    %sub3A_106 = arith.constant 1.000000e+00 : f32
    %sub3A_107 = vector.broadcast %sub3A_106 : f32 to vector<3x4096xf32>
    %sub3A_108 = arith.subf %sub3A, %sub3A_107 : vector<3x4096xf32>
    %select_n3A = arith.select %gt3A_105, %sub3A_108, %sub3A : vector<3x4096xi1>, vector<3x4096xf32>
    %lt3A = arith.constant -5.000000e-01 : f32
    %lt3A_109 = vector.broadcast %lt3A : f32 to vector<3x4096xf32>
    %lt3A_110 = arith.cmpf olt, %select_n3A, %lt3A_109 : vector<3x4096xf32>
    %add3A = arith.constant 1.000000e+00 : f32
    %add3A_111 = vector.broadcast %add3A : f32 to vector<3x4096xf32>
    %add3A_112 = arith.addf %select_n3A, %add3A_111 : vector<3x4096xf32>
    %select_n3A_113 = arith.select %lt3A_110, %add3A_112, %select_n3A : vector<3x4096xi1>, vector<3x4096xf32>
    %mul3A = arith.mulf %select_n3A_113, %select_n3A_113 : vector<3x4096xf32>
    %reduce_sum3A = arith.constant dense<0.000000e+00> : vector<4096xf32>
    %reduce_sum3A_114 = vector.multi_reduction <add>, %mul3A, %reduce_sum3A [0] : vector<3x4096xf32> to vector<4096xf32>
    %broadcast_in_dim3A = vector.shape_cast %reduce_sum3A_114 : vector<4096xf32> to vector<1x4096xf32>
    %rsqrt3A = math.rsqrt %broadcast_in_dim3A : vector<1x4096xf32>
    %mul3A_115 = arith.mulf %broadcast_in_dim3A, %rsqrt3A : vector<1x4096xf32>
    %concatenate3A_116 = tpu.concatenate %select_n3A_113, %mul3A_115, %rsqrt3A in 0 : vector<3x4096xf32>, vector<1x4096xf32>, vector<1x4096xf32> -> vector<5x4096xf32>
    %get3A_117 = arith.constant 0 : index
    %get3A_118 = arith.constant 0 : index
    %get3A_119 = vector.load %arg3[%get3A_117, %get3A_118] : memref<64x5xf32, #tpu.memory_space<vmem>>, vector<64x5xf32>
    %dot_general3A = arith.constant dense<0.000000e+00> : vector<64x4096xf32>
    %dot_general3A_120 = tpu.matmul %get3A_119, %concatenate3A_116, %dot_general3A {dimension_numbers = #tpu.dot_dimension_numbers<[1], [0], [0], [1], [0, 0, 1, 1], [], []>, transpose_lhs_hint = false} : vector<64x5xf32>, vector<5x4096xf32>, vector<64x4096xf32> -> vector<64x4096xf32>
    %get3A_121 = arith.constant 0 : index
    %get3A_122 = arith.constant 0 : index
    %get3A_123 = vector.load %arg8[%get3A_121, %get3A_122] : memref<64x1xf32, #tpu.memory_space<vmem>>, vector<64x1xf32>
    %add3A_124 = vector.broadcast %get3A_123 : vector<64x1xf32> to vector<64x4096xf32>
    %add3A_125 = arith.addf %dot_general3A_120, %add3A_124 : vector<64x4096xf32>
    %max3A = arith.constant 0.000000e+00 : f32
    %max3A_126 = vector.broadcast %max3A : f32 to vector<64x4096xf32>
    %max3A_127 = arith.maximumf %add3A_125, %max3A_126 : vector<64x4096xf32>
    %get3A_128 = arith.constant 0 : index
    %get3A_129 = arith.constant 0 : index
    %get3A_130 = vector.load %arg4[%get3A_128, %get3A_129] : memref<64x64xf32, #tpu.memory_space<vmem>>, vector<64x64xf32>
    %dot_general3A_131 = arith.constant dense<0.000000e+00> : vector<64x4096xf32>
    %dot_general3A_132 = tpu.matmul %get3A_130, %max3A_127, %dot_general3A_131 {dimension_numbers = #tpu.dot_dimension_numbers<[1], [0], [0], [1], [0, 0, 1, 1], [], []>, transpose_lhs_hint = false} : vector<64x64xf32>, vector<64x4096xf32>, vector<64x4096xf32> -> vector<64x4096xf32>
    %get3A_133 = arith.constant 0 : index
    %get3A_134 = arith.constant 0 : index
    %get3A_135 = vector.load %arg9[%get3A_133, %get3A_134] : memref<64x1xf32, #tpu.memory_space<vmem>>, vector<64x1xf32>
    %add3A_136 = vector.broadcast %get3A_135 : vector<64x1xf32> to vector<64x4096xf32>
    %add3A_137 = arith.addf %dot_general3A_132, %add3A_136 : vector<64x4096xf32>
    %gt3A_138 = arith.constant 0.000000e+00 : f32
    %gt3A_139 = vector.broadcast %gt3A_138 : f32 to vector<64x4096xf32>
    %gt3A_140 = arith.cmpf ogt, %add3A_137, %gt3A_139 : vector<64x4096xf32>
    %get3A_141 = arith.constant 0 : index
    %get3A_142 = arith.constant 0 : index
    %get3A_143 = vector.load %arg7[%get3A_141, %get3A_142] : memref<64x1xf32, #tpu.memory_space<vmem>>, vector<64x1xf32>
    %jit3A = arith.constant 0.000000e+00 : f32
    %broadcast_in_dim3A_144 = vector.shape_cast %get3A_143 : vector<64x1xf32> to vector<64x1xf32>
    %broadcast_in_dim3A_145 = vector.broadcast %broadcast_in_dim3A_144 : vector<64x1xf32> to vector<64x4096xf32>
    %broadcast_in_dim3A_146 = vector.broadcast %jit3A : f32 to vector<64x4096xf32>
    %select_n3A_147 = arith.select %gt3A_140, %broadcast_in_dim3A_145, %broadcast_in_dim3A_146 : vector<64x4096xi1>, vector<64x4096xf32>
    %get3A_148 = arith.constant 0 : index
    %get3A_149 = arith.constant 0 : index
    %get3A_150 = vector.load %arg5[%get3A_148, %get3A_149] : memref<64x64xf32, #tpu.memory_space<vmem>>, vector<64x64xf32>
    %dot_general3A_151 = arith.constant dense<0.000000e+00> : vector<64x4096xf32>
    %dot_general3A_152 = tpu.matmul %get3A_150, %select_n3A_147, %dot_general3A_151 {dimension_numbers = #tpu.dot_dimension_numbers<[1], [0], [0], [1], [0, 0, 1, 1], [], []>, transpose_lhs_hint = false} : vector<64x64xf32>, vector<64x4096xf32>, vector<64x4096xf32> -> vector<64x4096xf32>
    %gt3A_153 = arith.constant 0.000000e+00 : f32
    %gt3A_154 = vector.broadcast %gt3A_153 : f32 to vector<64x4096xf32>
    %gt3A_155 = arith.cmpf ogt, %add3A_125, %gt3A_154 : vector<64x4096xf32>
    %jit3A_156 = arith.constant 0.000000e+00 : f32
    %broadcast_in_dim3A_157 = vector.broadcast %jit3A_156 : f32 to vector<64x4096xf32>
    %select_n3A_158 = arith.select %gt3A_155, %dot_general3A_152, %broadcast_in_dim3A_157 : vector<64x4096xi1>, vector<64x4096xf32>
    %get3A_159 = arith.constant 0 : index
    %get3A_160 = arith.constant 0 : index
    %get3A_161 = vector.load %arg6[%get3A_159, %get3A_160] : memref<5x64xf32, #tpu.memory_space<vmem>>, vector<5x64xf32>
    %dot_general3A_162 = arith.constant dense<0.000000e+00> : vector<5x4096xf32>
    %dot_general3A_163 = tpu.matmul %get3A_161, %select_n3A_158, %dot_general3A_162 {dimension_numbers = #tpu.dot_dimension_numbers<[1], [0], [0], [1], [0, 0, 1, 1], [], []>, transpose_lhs_hint = false} : vector<5x64xf32>, vector<64x4096xf32>, vector<5x4096xf32> -> vector<5x4096xf32>
    %mul3A_164 = arith.constant 4.000000e-02 : f32
    %mul3A_165 = vector.broadcast %mul3A_164 : f32 to vector<1x4096xf32>
    %mul3A_166 = arith.mulf %mul3A_165, %rsqrt3A : vector<1x4096xf32>
    %mul3A_167 = arith.mulf %mul3A_166, %mul3A_166 : vector<1x4096xf32>
    %mul3A_168 = arith.mulf %mul3A_167, %mul3A_167 : vector<1x4096xf32>
    %mul3A_169 = arith.mulf %mul3A_168, %mul3A_168 : vector<1x4096xf32>
    %mul3A_170 = arith.mulf %mul3A_169, %mul3A_168 : vector<1x4096xf32>
    %slice3A_171 = vector.extract_strided_slice %dot_general3A_163 {offsets = [3, 0], sizes = [1, 4096], strides = [1, 1]} : vector<5x4096xf32> to vector<1x4096xf32>
    %mul3A_172 = arith.mulf %slice3A_171, %rsqrt3A : vector<1x4096xf32>
    %slice3A_173 = vector.extract_strided_slice %dot_general3A_163 {offsets = [4, 0], sizes = [1, 4096], strides = [1, 1]} : vector<5x4096xf32> to vector<1x4096xf32>
    %mul3A_174 = arith.mulf %rsqrt3A, %rsqrt3A : vector<1x4096xf32>
    %mul3A_175 = arith.mulf %mul3A_174, %rsqrt3A : vector<1x4096xf32>
    %mul3A_176 = arith.mulf %slice3A_173, %mul3A_175 : vector<1x4096xf32>
    %sub3A_177 = arith.subf %mul3A_172, %mul3A_176 : vector<1x4096xf32>
    %mul3A_178 = arith.constant 1.200000e+01 : f32
    %mul3A_179 = vector.broadcast %mul3A_178 : f32 to vector<1x4096xf32>
    %mul3A_180 = arith.mulf %mul3A_179, %mul3A_170 : vector<1x4096xf32>
    %mul3A_181 = arith.mulf %rsqrt3A, %rsqrt3A : vector<1x4096xf32>
    %mul3A_182 = arith.mulf %mul3A_180, %mul3A_181 : vector<1x4096xf32>
    %sub3A_183 = arith.subf %sub3A_177, %mul3A_182 : vector<1x4096xf32>
    %slice3A_184 = vector.extract_strided_slice %dot_general3A_163 {offsets = [0, 0], sizes = [3, 4096], strides = [1, 1]} : vector<5x4096xf32> to vector<3x4096xf32>
    %mul3A_185 = vector.broadcast %sub3A_183 : vector<1x4096xf32> to vector<3x4096xf32>
    %mul3A_186 = arith.mulf %mul3A_185, %select_n3A_113 : vector<3x4096xf32>
    %add3A_187 = arith.addf %slice3A_184, %mul3A_186 : vector<3x4096xf32>
    %neg3A = arith.constant 0.000000e+00 : f32
    %neg3A_188 = vector.broadcast %neg3A : f32 to vector<3x4096xf32>
    %neg3A_189 = arith.subf %neg3A_188, %add3A_187 : vector<3x4096xf32>
    %reshape3A = vector.shape_cast %neg3A_189 : vector<3x4096xf32> to vector<3x32x128xf32>
    %reduce_sum3A_190 = arith.constant dense<0.000000e+00> : vector<3x128xf32>
    %reduce_sum3A_191 = vector.multi_reduction <add>, %reshape3A, %reduce_sum3A_190 [1] : vector<3x32x128xf32> to vector<3x128xf32>
    %iota3A = tpu.iota {dimensions = array<i32: 1>} : vector<1x128xi32>
    %mul3A_192 = arith.constant 128 : i32
    %mul3A_193 = arith.muli %arg0, %mul3A_192 : i32
    %add3A_194 = vector.broadcast %mul3A_193 : i32 to vector<1x128xi32>
    %add3A_195 = arith.addi %iota3A, %add3A_194 : vector<1x128xi32>
    %lt3A_196 = arith.constant 20000 : i32
    %lt3A_197 = vector.broadcast %lt3A_196 : i32 to vector<1x128xi32>
    %lt3A_198 = arith.cmpi slt, %add3A_195, %lt3A_197 : vector<1x128xi32>
    %jit3A_199 = arith.constant 0.000000e+00 : f32
    %broadcast_in_dim3A_200 = vector.shape_cast %lt3A_198 : vector<1x128xi1> to vector<1x128xi1>
    %broadcast_in_dim3A_201 = vector.broadcast %broadcast_in_dim3A_200 : vector<1x128xi1> to vector<3x128xi1>
    %broadcast_in_dim3A_202 = vector.broadcast %jit3A_199 : f32 to vector<3x128xf32>
    %select_n3A_203 = arith.select %broadcast_in_dim3A_201, %reduce_sum3A_191, %broadcast_in_dim3A_202 : vector<3x128xi1>, vector<3x128xf32>
    %swap3A = arith.constant 0 : index
    %swap3A_204 = arith.constant 0 : index
    %swap3A_205 = vector.load %arg10[%swap3A, %swap3A_204] : memref<3x128xf32, #tpu.memory_space<vmem>>, vector<3x128xf32>
    tpu.vector_store %arg10[%swap3A, %swap3A_204], %select_n3A_203 {strides = array<i32>} : memref<3x128xf32, #tpu.memory_space<vmem>>, vector<3x128xf32>,
    return
  }
  func.func @transform_0(%arg0: i32) -> (i32, i32) {
    %c0_i32 = arith.constant 0 : i32
    %c0_i32_0 = arith.constant 0 : i32
    return %arg0, %c0_i32 : i32, i32
  }
  func.func @transform_1(%arg0: i32) -> (i32, i32) {
    %c0_i32 = arith.constant 0 : i32
    %c0_i32_0 = arith.constant 0 : i32
    return %c0_i32, %arg0 : i32, i32
  }
  func.func @transform_2(%arg0: i32) -> (i32, i32) {
    %c0_i32 = arith.constant 0 : i32
    %c0_i32_0 = arith.constant 0 : i32
    %c0_i32_1 = arith.constant 0 : i32
    return %c0_i32, %c0_i32_0 : i32, i32
  }
  func.func @transform_3(%arg0: i32) -> (i32, i32) {
    %c0_i32 = arith.constant 0 : i32
    %c0_i32_0 = arith.constant 0 : i32
    %c0_i32_1 = arith.constant 0 : i32
    return %c0_i32, %c0_i32_0 : i32, i32
  }
  func.func @transform_4(%arg0: i32) -> (i32, i32) {
    %c0_i32 = arith.constant 0 : i32
    %c0_i32_0 = arith.constant 0 : i32
    %c0_i32_1 = arith.constant 0 : i32
    return %c0_i32, %c0_i32_0 : i32, i32
  }
  func.func @transform_5(%arg0: i32) -> (i32, i32) {
    %c0_i32 = arith.constant 0 : i32
    %c0_i32_0 = arith.constant 0 : i32
    %c0_i32_1 = arith.constant 0 : i32
    return %c0_i32, %c0_i32_0 : i32, i32
  }
  func.func @transform_6(%arg0: i32) -> (i32, i32) {
    %c0_i32 = arith.constant 0 : i32
    %c0_i32_0 = arith.constant 0 : i32
    %c0_i32_1 = arith.constant 0 : i32
    return %c0_i32, %c0_i32_0 : i32, i32
  }
  func.func @transform_7(%arg0: i32) -> (i32, i32) {
    %c0_i32 = arith.constant 0 : i32
    %c0_i32_0 = arith.constant 0 : i32
    %c0_i32_1 = arith.constant 0 : i32
    return %c0_i32, %c0_i32_0 : i32, i32
  }
  func.func @transform_8(%arg0: i32) -> (i32, i32) {
    %c0_i32 = arith.constant 0 : i32
    %c0_i32_0 = arith.constant 0 : i32
    %c0_i32_1 = arith.constant 0 : i32
    return %c0_i32, %c0_i32_0 : i32, i32
  }
  func.func @transform_9(%arg0: i32) -> (i32, i32) {
    %c0_i32 = arith.constant 0 : i32
    %c0_i32_0 = arith.constant 0 : i32
    return %c0_i32, %arg0 : i32, i32
  }
}

</mosaic_0001>

<sc_bundles>
// kernel: kernel.4.cloned.1.call-start
scs
__scs_entry_jumppad:
0x0: {  	(pc) =	sbr.rel $0x88, $3  }
0x1: {  	(tag) =	ssettag $0x0;
	lr =	simm.s32 $0x1  }
0x2: {  	[smem:$0x3F9A] =	sst lr;
	_ =	strace $0xD0000000  }
0x3: {  	_ = 	snop  }
0x4: {  	_ = 	snop  }
0x5: {  	_ = 	snop  }
0x6: {  	_ = 	snop  }
0x7: {  	_ = 	snop  }
__scs_overlays_trampoline_lowered:
0x8: {  	[smem:$0x3FA9] =	sst s0  }
0x9: {  	[smem:$0x3FAA] =	sst s1  }
0xa: {  	[smem:$0x3FAB] =	sst s2  }
0xb: {  	[smem:$0x3FAC] =	sst s3  }
0xc: {  	[smem:$0x3FAD] =	sst s4  }
0xd: {  	[smem:$0x3FAE] =	sst s5  }
0xe: {  	[smem:$0x3FAF] =	sst s6  }
0xf: {  	[smem:$0x3FB0] =	sst s7  }
0x10: {  	[smem:$0x3FB1] =	sst s8  }
0x11: {  	[smem:$0x3FB2] =	sst s9;
	s0 =	simm.s32 @!p0 $0x0  }
0x12: {  	s1 =	sld [smem:$0x3F98];
	s0 =	simm.s32 @p0 $0x1  }
0x13: {  	[smem:$0x3FB3] =	sst s0;
	s0 =	simm.s32 @!p1 $0x0  }
0x14: {  	s2 =	sld [smem:$0x3F97];
	s0 =	simm.s32 @p1 $0x1  }
0x15: {  	[smem:$0x3FB4] =	sst s0;
	s0 =	simm.s32 @!p2 $0x0  }
0x16: {  	s3 =	sld [smem:$0x3FDB];
	s0 =	simm.s32 @p2 $0x1  }
0x17: {  	s4 =	simm.s32 $0x1BF5;
	[smem:$0x3FB6] =	sst s0  }
0x18: {  	s0 =	sld [smem:$0x3F99];
	_ =	swait.ge [sflag:s4], $0x0  }
0x19: {  	s7 =	sld [smem:$0x3F9A]  }
0x1a: {  	s8 =	sadd.s32 $0xFFFFE003, lr  }
0x1b: {  	s9 =	sadd.s32 $0xFFFFFEF7, lr;
	s5 =	simm.s32 $0xFFFFFFFF;
	p2 =	slt.u32 s8, $0xFFFFF086  }
0x1c: {  	p1 =	slt.u32 s9, $0xF7A;
	s5 =	simm.s32 @!p2 $0x0  }
0x1d: {  	s5 =	simm.s32 @p1 $0x1;
	p0 =	seq.s32 s7, s2  }
0x1e: {  	s7 =	smul.u32 @!p0 $0xF7A, s2;
	p2 =	seq.s32 @!p0 s5, $0x0  }
0x1f: {  	s9 =	smul.u32 $0xF7A, s1;
	s8 =	simm.s32 @!p0 $0x1BF5;
	p2 =	por !p2, p0  }
0x20: {  	[sflag:s8] =	ssyncset.s32 @!p0 $0xFFFFF086;
	s6 =	sadd.s32 @!p0 s3, s7;
	s7 =	simm.s32 @!p0 $0x108  }
0x21: {  	s3 =	sadd.s32 s3, s9;
	s6 =	sadd.s32 @!p0 $0x88, s6;
	s7 =	simm.s32 @p2 $0x1082  }
0x22: {  	[simem:s7], [sflag:s8] =	dma.local @!p0 [hbm:s6], $0xF7A  }
0x23: {  	s9 =	sor.u32 $0xD0000000, s2;
	s6 =	simm.s32 $0x108;
	_ =	swait.ge @!p0 [sflag:s8], $0x0  }
0x24: {  	s3 =	sadd.s32 $0x88, s3;
	s6 =	simm.s32 @!p1 $0x1082;
	[sflag:s4] =	ssyncset.s32 $0xFFFFF086  }
0x25: {  	[simem:s6], [sflag:s4] =	dma.local [hbm:s3], $0xF7A  }
0x26: {  	[smem:$0x3F9A] =	sst s1;
	(tag) =	ssettag s2;
	_ =	strace s9  }
0x27: {  	s1 =	sld [smem:$0x3FAA]  }
0x28: {  	s2 =	sld [smem:$0x3FAB]  }
0x29: {  	s4 =	sld [smem:$0x3FAD]  }
0x2a: {  	p0 =	seq.s32 s5, $0x0;
	s5 =	sld [smem:$0x3FAE]  }
0x2b: {  	s6 =	sld [smem:$0x3FAF]  }
0x2c: {  	s7 =	sld [smem:$0x3FB0]  }
0x2d: {  	s3 =	simm.s32 $0x108;
	s8 =	sld [smem:$0x3FB1]  }
0x2e: {  	s3 =	simm.s32 @!p0 $0x1082;
	s9 =	sld [smem:$0x3FB2]  }
0x2f: {  	lr =	sadd.s32 s0, s3;
	s0 =	sld [smem:$0x3FA9]  }
0x30: {  	s3 =	sld [smem:$0x3FAC]  }
0x31: {  	[smem:$0x3FB5] =	sst s10  }
0x32: {  	s10 =	sld [smem:$0x3FB3];
	_ =	sdelay $0x3  }
0x33: {  	p0 =	seq.s32 s10, $0x1;
	s10 =	sld [smem:$0x3FB5];
	_ =	sdelay $0x3  }
0x34: {  	[smem:$0x3FB5] =	sst s10  }
0x35: {  	s10 =	sld [smem:$0x3FB4];
	_ =	sdelay $0x3  }
0x36: {  	p1 =	seq.s32 s10, $0x1;
	s10 =	sld [smem:$0x3FB5];
	_ =	sdelay $0x3  }
0x37: {  	[smem:$0x3FB5] =	sst s10  }
0x38: {  	s10 =	sld [smem:$0x3FB6]  }
0x39: {  	_ = 	snop;
	(pc) =	sbr.ind lr, $3  }
0x3a: {  	_ = 	snop  }
0x3b: {  	_ = 	snop  }
0x3c: {  	p2 =	seq.s32 s10, $0x1;
	s10 =	sld [smem:$0x3FB5]  }
0x3d: {  	_ =	shalt  }
0x3e: {  	_ =	shalt  }
0x3f: {  	_ =	shalt  }
0x40: {  	_ =	shalt  }
0x41: {  	_ =	shalt  }
0x42: {  	_ =	shalt  }
0x43: {  	_ =	shalt  }
0x44: {  	_ =	shalt  }
0x45: {  	_ =	shalt  }
0x46: {  	_ =	shalt  }
0x47: {  	_ =	shalt  }
0x48: {  	_ =	shalt  }
0x49: {  	_ =	shalt  }
0x4a: {  	_ =	shalt  }
0x4b: {  	_ =	shalt  }
0x4c: {  	_ =	shalt  }
0x4d: {  	_ =	shalt  }
0x4e: {  	_ =	shalt  }
0x4f: {  	_ =	shalt  }
0x50: {  	_ =	shalt  }
0x51: {  	_ =	shalt  }
0x52: {  	_ =	shalt  }
0x53: {  	_ =	shalt  }
0x54: {  	_ =	shalt  }
0x55: {  	_ =	shalt  }
0x56: {  	_ =	shalt  }
0x57: {  	_ =	shalt  }
0x58: {  	_ =	shalt  }
0x59: {  	_ =	shalt  }
0x5a: {  	_ =	shalt  }
0x5b: {  	_ =	shalt  }
0x5c: {  	_ =	shalt  }
0x5d: {  	_ =	shalt  }
0x5e: {  	_ =	shalt  }
0x5f: {  	_ =	shalt  }
0x60: {  	_ =	shalt  }
0x61: {  	_ =	shalt  }
0x62: {  	_ =	shalt  }
0x63: {  	_ =	shalt  }
0x64: {  	_ =	shalt  }
0x65: {  	_ =	shalt  }
0x66: {  	_ =	shalt  }
0x67: {  	_ =	shalt  }
0x68: {  	_ =	shalt  }
0x69: {  	_ =	shalt  }
0x6a: {  	_ =	shalt  }
0x6b: {  	_ =	shalt  }
0x6c: {  	_ =	shalt  }
0x6d: {  	_ =	shalt  }
0x6e: {  	_ =	shalt  }
0x6f: {  	_ =	shalt  }
0x70: {  	_ =	shalt  }
0x71: {  	_ =	shalt  }
0x72: {  	_ =	shalt  }
0x73: {  	_ =	shalt  }
0x74: {  	_ =	shalt  }
0x75: {  	_ =	shalt  }
0x76: {  	_ =	shalt  }
0x77: {  	_ =	shalt  }
0x78: {  	_ =	shalt  }
0x79: {  	_ =	shalt  }
0x7a: {  	_ =	shalt  }
0x7b: {  	_ =	shalt  }
0x7c: {  	_ =	shalt  }
0x7d: {  	_ =	shalt  }
0x7e: {  	_ =	shalt  }
0x7f: {  	_ =	shalt  }
0x80: {  	_ =	shalt  }
0x81: {  	_ =	shalt  }
0x82: {  	_ =	shalt  }
0x83: {  	_ =	shalt  }
0x84: {  	_ =	shalt  }
0x85: {  	_ =	shalt  }
0x86: {  	_ =	shalt  }
0x87: {  	_ =	shalt  }
.Lfunc_end0:
.L_simem_size_0:
called_computation_lowered:
.L_overlay_start_0:
0x88: {  	s2 =	sld [smem:$0x3FD9]  }
0x89: {  	s3 =	sld [smem:$0x3FFE];
	_ =	sdelay $0x1  }
0x8a: {  	s1 =	srdreg.scid  }
0x8b: {  	s0 =	sand.u32 $0x1, s1  }
0x8c: {  	s16 =	sshll.u32 s0, $0xA;
	s2 =	sadd.s32 s3, s2  }
0x8d: {  	s2 =	sadd.s32 s2, s16  }
0x8e: {  	[smem:$0x3FC1] =	sst s2  }
0x8f: {  	_ = 	snop  }
0x90: {  	(tm) =	ssettm $0x1  }
0x91: {  	s17 =	sld [smem:$0x3FFB];
	_ =	sdelay $0x3  }
0x92: {  	_ =	strace s17  }
0x93: {  	s2 =	sld [smem:$0x3FFC];
	_ =	sdelay $0x3  }
0x94: {  	_ =	strace s2  }
0x95: {  	s2 =	sld [smem:$0x3FFD];
	_ =	sdelay $0x3  }
0x96: {  	_ =	strace s2  }
0x97: {  	_ =	strace $0x8FFFFFFF  }
0x98: {  	s18 =	sld [smem:$0x3FDB];
	_ =	sdelay $0x1  }
0x99: {  	s19 =	simm.s32 $_scs_section_size  }
0x9a: {  	s4 =	simm.s32 $_size__tile_overlayer_lowered;
	s5 =	simm.s32 $_tile_overlayer_lowered  }
0x9b: {  	s22 =	simm.s32 $0x1BFF;
	s21 =	sshll.u32 s5, $0x1;
	s2 =	sadd.s32 s19, s18  }
0x9c: {  	s6 =	simm.s32 $0x0;
	s20 =	sshll.u32 s4, $0x1;
	s4 =	sadd.s32 s21, s2  }
0x9d: {  	[timem:s6], [sflag:s22] =	dma.local [hbm:s4], s20  }
0x9e: {  	_ =	swait.ge [sflag:s22], s20  }
0x9f: {  	s3 =	ssub.s32 $0x0, s20;
	[sflag:s22] =	ssyncset.done $0x0  }
0xa0: {  	[sflag:s22] =	ssyncadd.s32 s3;
	_ =	sdelay $0x1  }
0xa1: {  	s23 =	simm.s32 $0x1B8B  }
0xa2: {  	_ =	swait.ge [sflag:s23], $0x1  }
0xa3: {  	[sflag:s23] =	ssyncset.done $0x0  }
0xa4: {  	s25 =	simm.s32 $0x1B8E;
	s24 =	sld [smem:$0x3FFE];
	[sflag:s23] =	ssyncadd.s32 $0xFFFFFFFF  }
0xa5: {  	s26 =	simm.s32 $execute0_lowered;
	[smem:$0x3FD2] =	sst s25  }
0xa6: {  	s4 =	sshll.u32 s26, $0x1;
	_ =	strace $0x80000046;
	[dreg:$0x1] =	wrdreg $0xFFFFFFFF  }
0xa7: {  	s28 =	simm.s32 $_size_execute0_lowered;
	s2 =	sadd.s32 s2, s4;
	[dreg:$0x0] =	wrdreg $0x0  }
0xa8: {  	s4 =	sshll.u32 s28, $0x1;
	[dreg:$0x2] =	wrdreg s2  }
0xa9: {  	[dreg:$0x3] =	wrdreg s4  }
0xaa: {  	[dreg:$0x4] =	wrdreg $0xC0  }
0xab: {  	_ =	task [dreg:s6], $0x5FFFF  }
0xac: {  	[dreg:$0x1] =	wrdreg $0xFFFFFFFF  }
0xad: {  	[dreg:$0x0] =	wrdreg $0x60  }
0xae: {  	[dreg:$0x2] =	wrdreg s24  }
0xaf: {  	[dreg:$0x3] =	wrdreg $0x9  }
0xb0: {  	_ =	task.clear_ibuf [dreg:s6], $0x4FFFF;
	_ =	strace $0x90000046  }
0xb1: {  	s29 =	simm.s32 $0x9;
	_ =	strace $0x80000048  }
0xb2: {  	_ =	swait.ge [sflag:s29], $0x1  }
0xb3: {  	[sflag:s29] =	ssyncadd.s32 $0xFFFFFFFF  }
0xb4: {  	_ =	strace $0x90000048  }
0xb5: {  	_ =	sfence  }
0xb6: {  	s30 =	sld [smem:$0x0];
	_ =	sdelay $0x2  }
0xb7: {  	s31 =	sshll.u32 s1, $0xD;
	s1 =	sshrl.u32 s1, $0x2  }
0xb8: {  	s3 =	sand.u32 $0x4000, s31;
	s1 =	sadd.s32 s1, s30  }
0xb9: {  	s0 =	sor.u32 s3, s0;
	s1 =	sshll.u32 s1, $0x11  }
0xba: {  	s0 =	sor.u32 s1, s0  }
0xbb: {  	s0 =	sadd.s32 $0x8F2B, s0  }
0xbc: {  	[sflag:s0] =	ssyncadd.remote.s32 $0x1  }
0xbd: {  	_ =	sfence.sel $0xFFFF  }
0xbe: {  	[dreg:$0x0] =	wrdreg $0xFFFFFFFF;
	(pc) =	sbr.abs _section_cstart, $3  }
0xbf: {  	[dreg:$0x1] =	wrdreg $0xFFFFFFFF  }
0xc0: {  	_ =	task.clear_ibuf [dreg:s6], $0x2FFFF;
	_ =	strace $0x9FFFFFFF  }
0xc1: {  	(tm) =	ssettm $0x7FFFFFFF  }
tec
execute0_lowered:
.L_overlay_start_1:
0x0: {  	(tag) =	ssettag $0x1  }
0x1: {  	s1 =	srdreg.scid;
	s0 =	stileid.u32  }
0x2: {  	s26 =	sand.u32 $0x1, s1;
	s30 =	sshll.u32 s0, $0x1  }
0x3: {  	s1 =	sor.u32 s26, s30  }
0x4: {  	s8 =	rddreg [dreg:$0x0];
	s2 =	simm.s32 $0x0;
	s28 =	smul.u32 $0x4E20, s1  }
0x5: {  	[smem:$0x7FF] =	sst s2  }
0x6: {  	s25 =	sadd.s32 $0x7200, s8;
	s1 =	rddreg [dreg:$0x1];
	s3 =	sshrl.u32 s28, $0x3  }
0x7: {  	_ =	strace $0x80000047;
	s4 =	sadd.s32 s25, s3;
	s3 =	simm.s32 $0x2  }
0x8: {  	[tilespmem:s2], [sflag:$0x2] =	stream.linear.gather [hbm4b:s4+s2], $0x7D0, $0x38;
	[tilespmem:$0x4650] =	vst v63  }
0x9: {  	_ =	swait.ge [sflag:s3], $0x7D0  }
0xa: {  	s6 =	simm.s32 $0x7D0;
	[sflag:s3] =	ssyncset.done $0x0  }
0xb: {  	s7 =	simm.s32 $0x1;
	s5 =	sadd.s32 $0x2200, s8;
	[sflag:s3] =	ssyncadd.s32 $0xFFFFF830  }
0xc: {  	[tilespmem:s6], [sflag:$0x1] =	stream.indirect.gather [hbm4b:s5+s6], $0x4, s2, s6, $0xb8;
	[tilespmem:$0x4650] =	vst v63  }
0xd: {  	_ =	swait.ge [sflag:s7], $0x1F40  }
0xe: {  	s29 =	sadd.s32 $0x1AC00, s8;
	[sflag:s7] =	ssyncset.done $0x0  }
0xf: {  	s8 =	sadd.s32 s29, s28;
	[sflag:s7] =	ssyncadd.s32 $0xFFFFE0C0  }
0x10: {  	[hbm4b:s8+s2] =	stream.linear.scatter [tilespmem:s6], [sflag:$0x2], $0x3E80, $0x38;
	[tilespmem:$0x4650] =	vst v63  }
0x11: {  	s10 =	sadd.s32 $0x7D0, s28;
	_ =	swait.ge [sflag:s3], $0x3E80  }
0x12: {  	s9 =	sshrl.u32 s10, $0x3;
	[sflag:s3] =	ssyncset.done $0x0  }
0x13: {  	s9 =	sadd.s32 s25, s9;
	[sflag:s3] =	ssyncadd.s32 $0xFFFFC180  }
0x14: {  	[tilespmem:s2], [sflag:$0x2] =	stream.linear.gather [hbm4b:s9+s2], $0x7D0, $0x38;
	[tilespmem:$0x4650] =	vst v63  }
0x15: {  	_ =	swait.ge [sflag:s3], $0x7D0  }
0x16: {  	[sflag:s3] =	ssyncset.done $0x0  }
0x17: {  	[sflag:s3] =	ssyncadd.s32 $0xFFFFF830  }
0x18: {  	[tilespmem:s6], [sflag:$0x1] =	stream.indirect.gather [hbm4b:s5+s6], $0x4, s2, s6, $0xb8;
	[tilespmem:$0x4650] =	vst v63  }
0x19: {  	_ =	swait.ge [sflag:s7], $0x1F40  }
0x1a: {  	[sflag:s7] =	ssyncset.done $0x0  }
0x1b: {  	s10 =	sadd.s32 s29, s10;
	[sflag:s7] =	ssyncadd.s32 $0xFFFFE0C0  }
0x1c: {  	[hbm4b:s10+s2] =	stream.linear.scatter [tilespmem:s6], [sflag:$0x2], $0x3E80, $0x38;
	[tilespmem:$0x4650] =	vst v63  }
0x1d: {  	s12 =	sadd.s32 $0xFA0, s28;
	_ =	swait.ge [sflag:s3], $0x3E80  }
0x1e: {  	s11 =	sshrl.u32 s12, $0x3;
	[sflag:s3] =	ssyncset.done $0x0  }
0x1f: {  	s11 =	sadd.s32 s25, s11;
	[sflag:s3] =	ssyncadd.s32 $0xFFFFC180  }
0x20: {  	[tilespmem:s2], [sflag:$0x2] =	stream.linear.gather [hbm4b:s11+s2], $0x7D0, $0x38;
	[tilespmem:$0x4650] =	vst v63  }
0x21: {  	_ =	swait.ge [sflag:s3], $0x7D0  }
0x22: {  	[sflag:s3] =	ssyncset.done $0x0  }
0x23: {  	[sflag:s3] =	ssyncadd.s32 $0xFFFFF830  }
0x24: {  	[tilespmem:s6], [sflag:$0x1] =	stream.indirect.gather [hbm4b:s5+s6], $0x4, s2, s6, $0xb8;
	[tilespmem:$0x4650] =	vst v63  }
0x25: {  	_ =	swait.ge [sflag:s7], $0x1F40  }
0x26: {  	[sflag:s7] =	ssyncset.done $0x0  }
0x27: {  	s12 =	sadd.s32 s29, s12;
	[sflag:s7] =	ssyncadd.s32 $0xFFFFE0C0  }
0x28: {  	[hbm4b:s12+s2] =	stream.linear.scatter [tilespmem:s6], [sflag:$0x2], $0x3E80, $0x38;
	[tilespmem:$0x4650] =	vst v63  }
0x29: {  	s14 =	sadd.s32 $0x1770, s28;
	_ =	swait.ge [sflag:s3], $0x3E80  }
0x2a: {  	s13 =	sshrl.u32 s14, $0x3;
	[sflag:s3] =	ssyncset.done $0x0  }
0x2b: {  	s13 =	sadd.s32 s25, s13;
	[sflag:s3] =	ssyncadd.s32 $0xFFFFC180  }
0x2c: {  	[tilespmem:s2], [sflag:$0x2] =	stream.linear.gather [hbm4b:s13+s2], $0x7D0, $0x38;
	[tilespmem:$0x4650] =	vst v63  }
0x2d: {  	_ =	swait.ge [sflag:s3], $0x7D0  }
0x2e: {  	[sflag:s3] =	ssyncset.done $0x0  }
0x2f: {  	[sflag:s3] =	ssyncadd.s32 $0xFFFFF830  }
0x30: {  	[tilespmem:s6], [sflag:$0x1] =	stream.indirect.gather [hbm4b:s5+s6], $0x4, s2, s6, $0xb8;
	[tilespmem:$0x4650] =	vst v63  }
0x31: {  	_ =	swait.ge [sflag:s7], $0x1F40  }
0x32: {  	[sflag:s7] =	ssyncset.done $0x0  }
0x33: {  	s14 =	sadd.s32 s29, s14;
	[sflag:s7] =	ssyncadd.s32 $0xFFFFE0C0  }
0x34: {  	[hbm4b:s14+s2] =	stream.linear.scatter [tilespmem:s6], [sflag:$0x2], $0x3E80, $0x38;
	[tilespmem:$0x4650] =	vst v63  }
0x35: {  	s16 =	sadd.s32 $0x1F40, s28;
	_ =	swait.ge [sflag:s3], $0x3E80  }
0x36: {  	s15 =	sshrl.u32 s16, $0x3;
	[sflag:s3] =	ssyncset.done $0x0  }
0x37: {  	s15 =	sadd.s32 s25, s15;
	[sflag:s3] =	ssyncadd.s32 $0xFFFFC180  }
0x38: {  	[tilespmem:s2], [sflag:$0x2] =	stream.linear.gather [hbm4b:s15+s2], $0x7D0, $0x38;
	[tilespmem:$0x4650] =	vst v63  }
0x39: {  	_ =	swait.ge [sflag:s3], $0x7D0  }
0x3a: {  	[sflag:s3] =	ssyncset.done $0x0  }
0x3b: {  	[sflag:s3] =	ssyncadd.s32 $0xFFFFF830  }
0x3c: {  	[tilespmem:s6], [sflag:$0x1] =	stream.indirect.gather [hbm4b:s5+s6], $0x4, s2, s6, $0xb8;
	[tilespmem:$0x4650] =	vst v63  }
0x3d: {  	_ =	swait.ge [sflag:s7], $0x1F40  }
0x3e: {  	[sflag:s7] =	ssyncset.done $0x0  }
0x3f: {  	s16 =	sadd.s32 s29, s16;
	[sflag:s7] =	ssyncadd.s32 $0xFFFFE0C0  }
0x40: {  	[hbm4b:s16+s2] =	stream.linear.scatter [tilespmem:s6], [sflag:$0x2], $0x3E80, $0x38;
	[tilespmem:$0x4650] =	vst v63  }
0x41: {  	s18 =	sadd.s32 $0x2710, s28;
	_ =	swait.ge [sflag:s3], $0x3E80  }
0x42: {  	s17 =	sshrl.u32 s18, $0x3;
	[sflag:s3] =	ssyncset.done $0x0  }
0x43: {  	s17 =	sadd.s32 s25, s17;
	[sflag:s3] =	ssyncadd.s32 $0xFFFFC180  }
0x44: {  	[tilespmem:s2], [sflag:$0x2] =	stream.linear.gather [hbm4b:s17+s2], $0x7D0, $0x38;
	[tilespmem:$0x4650] =	vst v63  }
0x45: {  	_ =	swait.ge [sflag:s3], $0x7D0  }
0x46: {  	[sflag:s3] =	ssyncset.done $0x0  }
0x47: {  	[sflag:s3] =	ssyncadd.s32 $0xFFFFF830  }
0x48: {  	[tilespmem:s6], [sflag:$0x1] =	stream.indirect.gather [hbm4b:s5+s6], $0x4, s2, s6, $0xb8;
	[tilespmem:$0x4650] =	vst v63  }
0x49: {  	_ =	swait.ge [sflag:s7], $0x1F40  }
0x4a: {  	[sflag:s7] =	ssyncset.done $0x0  }
0x4b: {  	s18 =	sadd.s32 s29, s18;
	[sflag:s7] =	ssyncadd.s32 $0xFFFFE0C0  }
0x4c: {  	[hbm4b:s18+s2] =	stream.linear.scatter [tilespmem:s6], [sflag:$0x2], $0x3E80, $0x38;
	[tilespmem:$0x4650] =	vst v63  }
0x4d: {  	s20 =	sadd.s32 $0x2EE0, s28;
	_ =	swait.ge [sflag:s3], $0x3E80  }
0x4e: {  	s19 =	sshrl.u32 s20, $0x3;
	[sflag:s3] =	ssyncset.done $0x0  }
0x4f: {  	s19 =	sadd.s32 s25, s19;
	[sflag:s3] =	ssyncadd.s32 $0xFFFFC180  }
0x50: {  	[tilespmem:s2], [sflag:$0x2] =	stream.linear.gather [hbm4b:s19+s2], $0x7D0, $0x38;
	[tilespmem:$0x4650] =	vst v63  }
0x51: {  	_ =	swait.ge [sflag:s3], $0x7D0  }
0x52: {  	[sflag:s3] =	ssyncset.done $0x0  }
0x53: {  	[sflag:s3] =	ssyncadd.s32 $0xFFFFF830  }
0x54: {  	[tilespmem:s6], [sflag:$0x1] =	stream.indirect.gather [hbm4b:s5+s6], $0x4, s2, s6, $0xb8;
	[tilespmem:$0x4650] =	vst v63  }
0x55: {  	_ =	swait.ge [sflag:s7], $0x1F40  }
0x56: {  	[sflag:s7] =	ssyncset.done $0x0  }
0x57: {  	s20 =	sadd.s32 s29, s20;
	[sflag:s7] =	ssyncadd.s32 $0xFFFFE0C0  }
0x58: {  	[hbm4b:s20+s2] =	stream.linear.scatter [tilespmem:s6], [sflag:$0x2], $0x3E80, $0x38;
	[tilespmem:$0x4650] =	vst v63  }
0x59: {  	s22 =	sadd.s32 $0x36B0, s28;
	_ =	swait.ge [sflag:s3], $0x3E80  }
0x5a: {  	s21 =	sshrl.u32 s22, $0x3;
	[sflag:s3] =	ssyncset.done $0x0  }
0x5b: {  	s21 =	sadd.s32 s25, s21;
	[sflag:s3] =	ssyncadd.s32 $0xFFFFC180  }
0x5c: {  	[tilespmem:s2], [sflag:$0x2] =	stream.linear.gather [hbm4b:s21+s2], $0x7D0, $0x38;
	[tilespmem:$0x4650] =	vst v63  }
0x5d: {  	_ =	swait.ge [sflag:s3], $0x7D0  }
0x5e: {  	[sflag:s3] =	ssyncset.done $0x0  }
0x5f: {  	[sflag:s3] =	ssyncadd.s32 $0xFFFFF830  }
0x60: {  	[tilespmem:s6], [sflag:$0x1] =	stream.indirect.gather [hbm4b:s5+s6], $0x4, s2, s6, $0xb8;
	[tilespmem:$0x4650] =	vst v63  }
0x61: {  	_ =	swait.ge [sflag:s7], $0x1F40  }
0x62: {  	[sflag:s7] =	ssyncset.done $0x0  }
0x63: {  	s22 =	sadd.s32 s29, s22;
	[sflag:s7] =	ssyncadd.s32 $0xFFFFE0C0  }
0x64: {  	[hbm4b:s22+s2] =	stream.linear.scatter [tilespmem:s6], [sflag:$0x2], $0x3E80, $0x38;
	[tilespmem:$0x4650] =	vst v63  }
0x65: {  	s24 =	sadd.s32 $0x3E80, s28;
	_ =	swait.ge [sflag:s3], $0x3E80  }
0x66: {  	s23 =	sshrl.u32 s24, $0x3;
	[sflag:s3] =	ssyncset.done $0x0  }
0x67: {  	s23 =	sadd.s32 s25, s23;
	[sflag:s3] =	ssyncadd.s32 $0xFFFFC180  }
0x68: {  	[tilespmem:s2], [sflag:$0x2] =	stream.linear.gather [hbm4b:s23+s2], $0x7D0, $0x38;
	[tilespmem:$0x4650] =	vst v63  }
0x69: {  	_ =	swait.ge [sflag:s3], $0x7D0  }
0x6a: {  	[sflag:s3] =	ssyncset.done $0x0  }
0x6b: {  	[sflag:s3] =	ssyncadd.s32 $0xFFFFF830  }
0x6c: {  	[tilespmem:s6], [sflag:$0x1] =	stream.indirect.gather [hbm4b:s5+s6], $0x4, s2, s6, $0xb8;
	[tilespmem:$0x4650] =	vst v63  }
0x6d: {  	_ =	swait.ge [sflag:s7], $0x1F40  }
0x6e: {  	[sflag:s7] =	ssyncset.done $0x0  }
0x6f: {  	s24 =	sadd.s32 s29, s24;
	[sflag:s7] =	ssyncadd.s32 $0xFFFFE0C0  }
0x70: {  	[hbm4b:s24+s2] =	stream.linear.scatter [tilespmem:s6], [sflag:$0x2], $0x3E80, $0x38;
	[tilespmem:$0x4650] =	vst v63  }
0x71: {  	s28 =	sadd.s32 $0x4650, s28;
	_ =	swait.ge [sflag:s3], $0x3E80  }
0x72: {  	s30 =	sshrl.u32 s28, $0x3;
	[sflag:s3] =	ssyncset.done $0x0  }
0x73: {  	s26 =	ssub.s32 $0x2, s26;
	s25 =	sadd.s32 s25, s30;
	[sflag:s3] =	ssyncadd.s32 $0xFFFFC180  }
0x74: {  	[tilespmem:s2], [sflag:$0x2] =	stream.linear.gather [hbm4b:s25+s2], $0x7D0, $0x38;
	[tilespmem:$0x4650] =	vst v63  }
0x75: {  	s31 =	sshrl.u32 s26, $0x1;
	_ =	swait.ge [sflag:s3], $0x7D0  }
0x76: {  	s30 =	ssub.s32 s26, s31;
	[sflag:s3] =	ssyncset.done $0x0  }
0x77: {  	s26 =	sadd.s32 s29, s28;
	s28 =	smax.u32 s30, $0x1;
	[sflag:s3] =	ssyncadd.s32 $0xFFFFF830  }
0x78: {  	[tilespmem:s6], [sflag:$0x1] =	stream.indirect.gather [hbm4b:s5+s6], $0x4, s2, s6, $0xb8;
	[tilespmem:$0x4650] =	vst v63  }
0x79: {  	p0 =	sne.s32 s28, $0x1;
	_ =	swait.ge [sflag:s7], $0x1F40  }
.Ltmp0:
0x7a: {  	[sflag:s7] =	ssyncset.done $0x0;
	(pc) =	sbr.rel @!p0 .LBB2_2-.Ltmp0, $4  }
0x7b: {  	[sflag:s7] =	ssyncadd.s32 $0xFFFFE0C0  }
0x7c: {  	[hbm4b:s26+s2] =	stream.linear.scatter [tilespmem:s6], [sflag:$0x2], $0x3E80, $0x38;
	[tilespmem:$0x4650] =	vst v63  }
0x7d: {  	_ =	swait.ge [sflag:s3], $0x3E80  }
0x7e: {  	s28 =	sadd.s32 $0xFFFFFFFF, s28;
	[sflag:s3] =	ssyncset.done $0x0  }
.LBB2_1:
0x7f: {  	p0 =	sne.s32 s28, $0x1;
	s28 =	sadd.s32 $0xFFFFFFFF, s28;
	[sflag:s3] =	ssyncadd.s32 $0xFFFFC180  }
0x80: {  	[tilespmem:s2], [sflag:$0x2] =	stream.linear.gather [hbm4b:s4+s2], $0x7D0, $0x38;
	[tilespmem:$0x4650] =	vst v63  }
0x81: {  	_ =	swait.ge [sflag:s3], $0x7D0  }
0x82: {  	[sflag:s3] =	ssyncset.done $0x0  }
0x83: {  	[sflag:s3] =	ssyncadd.s32 $0xFFFFF830  }
0x84: {  	[tilespmem:s6], [sflag:$0x1] =	stream.indirect.gather [hbm4b:s5+s6], $0x4, s2, s6, $0xb8;
	[tilespmem:$0x4650] =	vst v63  }
0x85: {  	_ =	swait.ge [sflag:s7], $0x1F40  }
0x86: {  	[sflag:s7] =	ssyncset.done $0x0  }
0x87: {  	[sflag:s7] =	ssyncadd.s32 $0xFFFFE0C0  }
0x88: {  	[hbm4b:s8+s2] =	stream.linear.scatter [tilespmem:s6], [sflag:$0x2], $0x3E80, $0x38;
	[tilespmem:$0x4650] =	vst v63  }
0x89: {  	_ =	swait.ge [sflag:s3], $0x3E80  }
0x8a: {  	[sflag:s3] =	ssyncset.done $0x0  }
0x8b: {  	[sflag:s3] =	ssyncadd.s32 $0xFFFFC180  }
0x8c: {  	[tilespmem:s2], [sflag:$0x2] =	stream.linear.gather [hbm4b:s9+s2], $0x7D0, $0x38;
	[tilespmem:$0x4650] =	vst v63  }
0x8d: {  	_ =	swait.ge [sflag:s3], $0x7D0  }
0x8e: {  	[sflag:s3] =	ssyncset.done $0x0  }
0x8f: {  	[sflag:s3] =	ssyncadd.s32 $0xFFFFF830  }
0x90: {  	[tilespmem:s6], [sflag:$0x1] =	stream.indirect.gather [hbm4b:s5+s6], $0x4, s2, s6, $0xb8;
	[tilespmem:$0x4650] =	vst v63  }
0x91: {  	_ =	swait.ge [sflag:s7], $0x1F40  }
0x92: {  	[sflag:s7] =	ssyncset.done $0x0  }
0x93: {  	[sflag:s7] =	ssyncadd.s32 $0xFFFFE0C0  }
0x94: {  	[hbm4b:s10+s2] =	stream.linear.scatter [tilespmem:s6], [sflag:$0x2], $0x3E80, $0x38;
	[tilespmem:$0x4650] =	vst v63  }
0x95: {  	_ =	swait.ge [sflag:s3], $0x3E80  }
0x96: {  	[sflag:s3] =	ssyncset.done $0x0  }
0x97: {  	[sflag:s3] =	ssyncadd.s32 $0xFFFFC180  }
0x98: {  	[tilespmem:s2], [sflag:$0x2] =	stream.linear.gather [hbm4b:s11+s2], $0x7D0, $0x38;
	[tilespmem:$0x4650] =	vst v63  }
0x99: {  	_ =	swait.ge [sflag:s3], $0x7D0  }
0x9a: {  	[sflag:s3] =	ssyncset.done $0x0  }
0x9b: {  	[sflag:s3] =	ssyncadd.s32 $0xFFFFF830  }
0x9c: {  	[tilespmem:s6], [sflag:$0x1] =	stream.indirect.gather [hbm4b:s5+s6], $0x4, s2, s6, $0xb8;
	[tilespmem:$0x4650] =	vst v63  }
0x9d: {  	_ =	swait.ge [sflag:s7], $0x1F40  }
0x9e: {  	[sflag:s7] =	ssyncset.done $0x0  }
0x9f: {  	[sflag:s7] =	ssyncadd.s32 $0xFFFFE0C0  }
0xa0: {  	[hbm4b:s12+s2] =	stream.linear.scatter [tilespmem:s6], [sflag:$0x2], $0x3E80, $0x38;
	[tilespmem:$0x4650] =	vst v63  }
0xa1: {  	_ =	swait.ge [sflag:s3], $0x3E80  }
0xa2: {  	[sflag:s3] =	ssyncset.done $0x0  }
0xa3: {  	[sflag:s3] =	ssyncadd.s32 $0xFFFFC180  }
0xa4: {  	[tilespmem:s2], [sflag:$0x2] =	stream.linear.gather [hbm4b:s13+s2], $0x7D0, $0x38;
	[tilespmem:$0x4650] =	vst v63  }
0xa5: {  	_ =	swait.ge [sflag:s3], $0x7D0  }
0xa6: {  	[sflag:s3] =	ssyncset.done $0x0  }
0xa7: {  	[sflag:s3] =	ssyncadd.s32 $0xFFFFF830  }
0xa8: {  	[tilespmem:s6], [sflag:$0x1] =	stream.indirect.gather [hbm4b:s5+s6], $0x4, s2, s6, $0xb8;
	[tilespmem:$0x4650] =	vst v63  }
0xa9: {  	_ =	swait.ge [sflag:s7], $0x1F40  }
0xaa: {  	[sflag:s7] =	ssyncset.done $0x0  }
0xab: {  	[sflag:s7] =	ssyncadd.s32 $0xFFFFE0C0  }
0xac: {  	[hbm4b:s14+s2] =	stream.linear.scatter [tilespmem:s6], [sflag:$0x2], $0x3E80, $0x38;
	[tilespmem:$0x4650] =	vst v63  }
0xad: {  	_ =	swait.ge [sflag:s3], $0x3E80  }
0xae: {  	[sflag:s3] =	ssyncset.done $0x0  }
0xaf: {  	[sflag:s3] =	ssyncadd.s32 $0xFFFFC180  }
0xb0: {  	[tilespmem:s2], [sflag:$0x2] =	stream.linear.gather [hbm4b:s15+s2], $0x7D0, $0x38;
	[tilespmem:$0x4650] =	vst v63  }
0xb1: {  	_ =	swait.ge [sflag:s3], $0x7D0  }
0xb2: {  	[sflag:s3] =	ssyncset.done $0x0  }
0xb3: {  	[sflag:s3] =	ssyncadd.s32 $0xFFFFF830  }
0xb4: {  	[tilespmem:s6], [sflag:$0x1] =	stream.indirect.gather [hbm4b:s5+s6], $0x4, s2, s6, $0xb8;
	[tilespmem:$0x4650] =	vst v63  }
0xb5: {  	_ =	swait.ge [sflag:s7], $0x1F40  }
0xb6: {  	[sflag:s7] =	ssyncset.done $0x0  }
0xb7: {  	[sflag:s7] =	ssyncadd.s32 $0xFFFFE0C0  }
0xb8: {  	[hbm4b:s16+s2] =	stream.linear.scatter [tilespmem:s6], [sflag:$0x2], $0x3E80, $0x38;
	[tilespmem:$0x4650] =	vst v63  }
0xb9: {  	_ =	swait.ge [sflag:s3], $0x3E80  }
0xba: {  	[sflag:s3] =	ssyncset.done $0x0  }
0xbb: {  	[sflag:s3] =	ssyncadd.s32 $0xFFFFC180  }
0xbc: {  	[tilespmem:s2], [sflag:$0x2] =	stream.linear.gather [hbm4b:s17+s2], $0x7D0, $0x38;
	[tilespmem:$0x4650] =	vst v63  }
0xbd: {  	_ =	swait.ge [sflag:s3], $0x7D0  }
0xbe: {  	[sflag:s3] =	ssyncset.done $0x0  }
0xbf: {  	[sflag:s3] =	ssyncadd.s32 $0xFFFFF830  }
0xc0: {  	[tilespmem:s6], [sflag:$0x1] =	stream.indirect.gather [hbm4b:s5+s6], $0x4, s2, s6, $0xb8;
	[tilespmem:$0x4650] =	vst v63  }
0xc1: {  	_ =	swait.ge [sflag:s7], $0x1F40  }
0xc2: {  	[sflag:s7] =	ssyncset.done $0x0  }
0xc3: {  	[sflag:s7] =	ssyncadd.s32 $0xFFFFE0C0  }
0xc4: {  	[hbm4b:s18+s2] =	stream.linear.scatter [tilespmem:s6], [sflag:$0x2], $0x3E80, $0x38;
	[tilespmem:$0x4650] =	vst v63  }
0xc5: {  	_ =	swait.ge [sflag:s3], $0x3E80  }
0xc6: {  	[sflag:s3] =	ssyncset.done $0x0  }
0xc7: {  	[sflag:s3] =	ssyncadd.s32 $0xFFFFC180  }
0xc8: {  	[tilespmem:s2], [sflag:$0x2] =	stream.linear.gather [hbm4b:s19+s2], $0x7D0, $0x38;
	[tilespmem:$0x4650] =	vst v63  }
0xc9: {  	_ =	swait.ge [sflag:s3], $0x7D0  }
0xca: {  	[sflag:s3] =	ssyncset.done $0x0  }
0xcb: {  	[sflag:s3] =	ssyncadd.s32 $0xFFFFF830  }
0xcc: {  	[tilespmem:s6], [sflag:$0x1] =	stream.indirect.gather [hbm4b:s5+s6], $0x4, s2, s6, $0xb8;
	[tilespmem:$0x4650] =	vst v63  }
0xcd: {  	_ =	swait.ge [sflag:s7], $0x1F40  }
0xce: {  	[sflag:s7] =	ssyncset.done $0x0  }
0xcf: {  	[sflag:s7] =	ssyncadd.s32 $0xFFFFE0C0  }
0xd0: {  	[hbm4b:s20+s2] =	stream.linear.scatter [tilespmem:s6], [sflag:$0x2], $0x3E80, $0x38;
	[tilespmem:$0x4650] =	vst v63  }
0xd1: {  	_ =	swait.ge [sflag:s3], $0x3E80  }
0xd2: {  	[sflag:s3] =	ssyncset.done $0x0  }
0xd3: {  	[sflag:s3] =	ssyncadd.s32 $0xFFFFC180  }
0xd4: {  	[tilespmem:s2], [sflag:$0x2] =	stream.linear.gather [hbm4b:s21+s2], $0x7D0, $0x38;
	[tilespmem:$0x4650] =	vst v63  }
0xd5: {  	_ =	swait.ge [sflag:s3], $0x7D0  }
0xd6: {  	[sflag:s3] =	ssyncset.done $0x0  }
0xd7: {  	[sflag:s3] =	ssyncadd.s32 $0xFFFFF830  }
0xd8: {  	[tilespmem:s6], [sflag:$0x1] =	stream.indirect.gather [hbm4b:s5+s6], $0x4, s2, s6, $0xb8;
	[tilespmem:$0x4650] =	vst v63  }
0xd9: {  	_ =	swait.ge [sflag:s7], $0x1F40  }
0xda: {  	[sflag:s7] =	ssyncset.done $0x0  }
0xdb: {  	[sflag:s7] =	ssyncadd.s32 $0xFFFFE0C0  }
0xdc: {  	[hbm4b:s22+s2] =	stream.linear.scatter [tilespmem:s6], [sflag:$0x2], $0x3E80, $0x38;
	[tilespmem:$0x4650] =	vst v63  }
0xdd: {  	_ =	swait.ge [sflag:s3], $0x3E80  }
0xde: {  	[sflag:s3] =	ssyncset.done $0x0  }
0xdf: {  	[sflag:s3] =	ssyncadd.s32 $0xFFFFC180  }
0xe0: {  	[tilespmem:s2], [sflag:$0x2] =	stream.linear.gather [hbm4b:s23+s2], $0x7D0, $0x38;
	[tilespmem:$0x4650] =	vst v63  }
0xe1: {  	_ =	swait.ge [sflag:s3], $0x7D0  }
0xe2: {  	[sflag:s3] =	ssyncset.done $0x0  }
0xe3: {  	[sflag:s3] =	ssyncadd.s32 $0xFFFFF830  }
0xe4: {  	[tilespmem:s6], [sflag:$0x1] =	stream.indirect.gather [hbm4b:s5+s6], $0x4, s2, s6, $0xb8;
	[tilespmem:$0x4650] =	vst v63  }
0xe5: {  	_ =	swait.ge [sflag:s7], $0x1F40  }
0xe6: {  	[sflag:s7] =	ssyncset.done $0x0  }
0xe7: {  	[sflag:s7] =	ssyncadd.s32 $0xFFFFE0C0  }
0xe8: {  	[hbm4b:s24+s2] =	stream.linear.scatter [tilespmem:s6], [sflag:$0x2], $0x3E80, $0x38;
	[tilespmem:$0x4650] =	vst v63  }
0xe9: {  	_ =	swait.ge [sflag:s3], $0x3E80  }
0xea: {  	[sflag:s3] =	ssyncset.done $0x0  }
0xeb: {  	[sflag:s3] =	ssyncadd.s32 $0xFFFFC180  }
0xec: {  	[tilespmem:s2], [sflag:$0x2] =	stream.linear.gather [hbm4b:s25+s2], $0x7D0, $0x38;
	[tilespmem:$0x4650] =	vst v63  }
0xed: {  	_ =	swait.ge [sflag:s3], $0x7D0  }
0xee: {  	[sflag:s3] =	ssyncset.done $0x0  }
0xef: {  	[sflag:s3] =	ssyncadd.s32 $0xFFFFF830  }
0xf0: {  	[tilespmem:s6], [sflag:$0x1] =	stream.indirect.gather [hbm4b:s5+s6], $0x4, s2, s6, $0xb8;
	[tilespmem:$0x4650] =	vst v63  }
0xf1: {  	_ =	swait.ge [sflag:s7], $0x1F40  }
.Ltmp1:
0xf2: {  	[sflag:s7] =	ssyncset.done $0x0;
	(pc) =	sbr.rel @p0 .LBB2_1-.Ltmp1, $4  }
0xf3: {  	[sflag:s7] =	ssyncadd.s32 $0xFFFFE0C0  }
0xf4: {  	[hbm4b:s26+s2] =	stream.linear.scatter [tilespmem:s6], [sflag:$0x2], $0x3E80, $0x38;
	[tilespmem:$0x4650] =	vst v63  }
0xf5: {  	_ =	swait.ge [sflag:s3], $0x3E80  }
0xf6: {  	[sflag:s3] =	ssyncset.done $0x0  }
.LBB2_2:
0xf7: {  	[sflag:s3] =	ssyncadd.s32 $0xFFFFC180  }
0xf8: {  	_ =	sfence.sel $0x180000  }
0xf9: {  	[bflag:$0x0] =	sbarrier.arrive $0xFFFF  }
0xfa: {  	p0 =	sne.s32 s0, $0x0;
	_ =	strace $0x90000047  }
0xfb: {  	s0 =	sadd.s32 @!p0 $0x100000, s1;
	[bflag:$0x2] =	sbarrier.arrive $0xFFFF  }
0xfc: {  	[sflag:s0] =	ssyncadd.tile.s32 @!p0 $0x1;
	_ =	shalt  }
.Lfunc_end2:
_tile_overlayer_lowered:
.L_overlay_start_2:
0xfd: {  	(tag) =	ssettag $0x2  }
0xfe: {  	s0 =	rddreg [dreg:$0x0];
	s2 =	stileid.u32  }
0xff: {  	s1 =	rddreg [dreg:$0x1];
	p0 =	sne.s32 s2, $0x0  }
0x100: {  	s3 =	rddreg [dreg:$0x2];
	[bflag:$0x3] =	sbarrier.arrive $0xFFFF;
	s2 =	simm.s32 @!p0 $0x1C02  }
0x101: {  	[timem:s3], [sflag:s2] =	dma.local @!p0 [hbm:s0], s1  }
0x102: {  	s0 =	simm.s32 @!p0 $0x2  }
0x103: {  	_ =	swait.ge @!p0 [sflag:s0], s1  }
0x104: {  	s1 =	ssub.s32 @!p0 $0x0, s1;
	[sflag:s0] =	ssyncset.done @!p0 $0x0  }
0x105: {  	[sflag:s0] =	ssyncadd.s32 @!p0 s1  }
0x106: {  	[bflag:$0x3] =	sbarrier.arrive $0xFFFF  }
0x107: {  	_ =	shalt  }

</sc_bundles>
